<compile_context>
chip_gen: v7x
topology: tpu7x:2x2x1
jax: 0.10.2.dev20260603
libtpu: 0.0.44.dev20260713+nightly
codegen_flags: <defaults>
</compile_context>

<pallas_src>
import jax
import jax.numpy as jnp
from jax import lax
from jax.experimental import pallas as pl
from jax.experimental.pallas import tpu as pltpu
from jax.experimental.pallas import tpu_sc as plsc

_MAX_SHIFT = 7
_NUM_XS = 2 * _MAX_SHIFT + 1
_N = 320000
_D = 128
_NEMB = 450
_NW = 32
_BPW = _N // _NW
_CH = 80
_NCH = _BPW // _CH
_NBUF = 5


def _idx_body(x_ref, idx_ref):
    x = x_ref[...]
    idx_ref[...] = (
        2 * ((x[1, :] + _MAX_SHIFT) * _NUM_XS + (x[2, :] + _MAX_SHIFT))
        + x[0, :])


def _sc_body(idx_hbm, emb_ref, out_ref, idx_v, table_v, rows, gsem, ssem):
    wid = lax.axis_index("s") * 2 + lax.axis_index("c")
    ebase = wid * _BPW

    pltpu.async_copy(idx_hbm.at[pl.ds(ebase, _BPW)], idx_v, gsem.at[0])

    @pl.when(lax.axis_index("s") == 0)
    def _():
        pltpu.sync_copy(emb_ref, table_v)

    plsc.subcore_barrier()
    pltpu.make_async_copy(
        idx_hbm.at[pl.ds(ebase, _BPW)], idx_v, gsem.at[0]).wait()

    def start_gather(b, c):
        idx_sl = idx_v.at[pl.ds(c * _CH, _CH)]
        pltpu.async_copy(table_v.at[idx_sl], rows.at[b], gsem.at[b])

    def wait_gather(b):
        pltpu.make_async_copy(
            out_ref.at[pl.ds(0, _CH)], rows.at[b], gsem.at[b]).wait()

    def start_store(b, c):
        pltpu.async_copy(
            rows.at[b], out_ref.at[pl.ds(ebase + c * _CH, _CH)], ssem.at[b])

    def wait_store(b):
        pltpu.make_async_copy(
            rows.at[b], out_ref.at[pl.ds(0, _CH)], ssem.at[b]).wait()

    def ch_body(p, carry):
        for b in range(_NBUF):
            c = p * _NBUF + b
            wait_gather(b)
            start_store(b, c)

            @pl.when(c + _NBUF < _NCH)
            def _():
                wait_store(b)
                start_gather(b, c + _NBUF)

        return carry

    for b in range(_NBUF):
        start_gather(b, b)
    lax.fori_loop(0, _NCH // _NBUF, ch_body, 0)
    for b in range(_NBUF):
        wait_store(b)


def kernel(x, emb):
    idx = pl.pallas_call(
        _idx_body,
        out_shape=jax.ShapeDtypeStruct((_N,), jnp.int32),
    )(x.T)

    mesh = plsc.VectorSubcoreMesh(core_axis_name="c", subcore_axis_name="s")
    gather = pl.kernel(
        _sc_body,
        out_type=jax.ShapeDtypeStruct((_N, _D), jnp.float32),
        mesh=mesh,
        compiler_params=pltpu.CompilerParams(needs_layout_passes=False),
        scratch_types=[
            pltpu.VMEM((_BPW,), jnp.int32),
            pltpu.VMEM_SHARED((_NEMB, _D), jnp.float32),
            pltpu.VMEM((_NBUF, _CH, _D), jnp.float32),
            pltpu.SemaphoreType.DMA((_NBUF,)),
            pltpu.SemaphoreType.DMA((_NBUF,)),
        ],
    )
    return gather(idx, emb)

# --- scband reference (transcript-rebuilt; emitter-appended) ---
"""Pipeline reference for scband-edge-idx-79525614453293 (READ-ONLY COPY).

The authoritative reference and input builder live on the scoring server;
editing this copy changes nothing except your own understanding.
"""

import jax, jax.numpy as jnp
import numpy as np

MAX_X_SHIFT = 7
MAX_Y_SHIFT = 7
DIM = 128
NUM_X_SHIFTS = 2 * MAX_X_SHIFT + 1
NUM_EMBS = NUM_X_SHIFTS * (2 * MAX_Y_SHIFT + 1) * 2
N_EDGES = 320000


def setup_inputs(seed: int = 0) -> dict:
    key = jax.random.key(seed)
    k1, k2 = jax.random.split(key)
    # x columns: [outward in {0,1}, x_shift, y_shift]; randint in [0, 2) keeps all
    # columns in {0,1}, which is in-range for every field.
    x = jax.random.randint(k1, (N_EDGES, 3), 0, 2, dtype=jnp.int32)
    # learned embedding table, sized per init_kwargs
    emb = jax.random.normal(k2, (NUM_EMBS, DIM), dtype=jnp.float32)
    return {"x": x, "emb": emb}


def _to_idx(x):
    outward = x[:, 0]
    x_shift = x[:, 1]
    y_shift = x[:, 2]
    return 2 * ((x_shift + MAX_X_SHIFT) * NUM_X_SHIFTS + (y_shift + MAX_Y_SHIFT)) + outward


def reference(x, emb):
    idx = _to_idx(x)
    return jnp.take(emb, idx, axis=0)

if __name__ == "__main__":
    import jax
    _d = setup_inputs()
    print(jax.jit(kernel)(*tuple(_d.values())))

</pallas_src>

<mosaic_0001>
#map = affine_map<(d0, d1) -> (0)>
#map1 = affine_map<(d0, d1) -> (0, 0)>
module attributes {stable_mosaic.version = 14 : i64} {
  func.func @_sc_body(%arg0: i32, %arg1: i32, %arg2: memref<320000xi32, #tpu.memory_space<hbm>>, %arg3: memref<450x128xf32, #tpu.memory_space<hbm>>, %arg4: memref<320000x128xf32, #tpu.memory_space<hbm>>, %arg5: memref<10000xi32, #tpu.memory_space<vmem>>, %arg6: memref<450x128xf32, #tpu.memory_space<vmem_shared>>, %arg7: memref<5x80x128xf32, #tpu.memory_space<vmem>>, %arg8: memref<5x!tpu.dma_semaphore, #tpu.memory_space<semaphore_mem>>, %arg9: memref<5x!tpu.dma_semaphore, #tpu.memory_space<semaphore_mem>>) attributes {dimension_semantics = [#tpu.dimension_semantics<core_parallel>, #tpu.dimension_semantics<subcore_parallel>], iteration_bounds = array<i64: 2, 16>, scalar_prefetch = 0 : i64, scratch_operands = 5 : i64, tpu.core_type = #tpu.core_type<sc_vector_subcore>, window_params = [{transform_indices = #map}, {transform_indices = #map1}, {transform_indices = #map1}]} {
    %mul3A = arith.constant 2 : i32
    %mul3A_0 = arith.muli %arg1, %mul3A : i32
    %add3A = arith.addi %mul3A_0, %arg0 : i32
    %mul3A_1 = arith.constant 10000 : i32
    %mul3A_2 = arith.muli %add3A, %mul3A_1 : i32
    %dma_start3A = arith.constant 0 : i32
    %dma_start3A_3 = tpu.memref_slice %arg2[%mul3A_2] : memref<320000xi32, #tpu.memory_space<hbm>> -> memref<10000xi32, #tpu.memory_space<hbm>>
    %dma_start3A_4 = tpu.memref_slice %arg8[%dma_start3A] : memref<5x!tpu.dma_semaphore, #tpu.memory_space<semaphore_mem>> -> memref<1x!tpu.dma_semaphore, #tpu.memory_space<semaphore_mem>>
    %dma_start3A_5 = tpu.memref_squeeze %dma_start3A_4 : memref<1x!tpu.dma_semaphore, #tpu.memory_space<semaphore_mem>> -> memref<!tpu.dma_semaphore, #tpu.memory_space<semaphore_mem>>
    %dma_start3A_6 = tpu.memref_slice %arg2[%mul3A_2] : memref<320000xi32, #tpu.memory_space<hbm>> -> memref<10000xi32, #tpu.memory_space<hbm>>
    tpu.enqueue_dma source(%dma_start3A_6 : memref<10000xi32, #tpu.memory_space<hbm>>) target(%arg5 : memref<10000xi32, #tpu.memory_space<vmem>>) target_semaphore(%dma_start3A_5 : memref<!tpu.dma_semaphore, #tpu.memory_space<semaphore_mem>>)
    %eq3A = arith.constant 0 : i32
    %eq3A_7 = arith.cmpi eq, %arg1, %eq3A : i32
    %convert_element_type3A = arith.extui %eq3A_7 : i1 to i32
    %cond3A = arith.constant 0 : i32
    %cond3A_8 = arith.cmpi ne, %convert_element_type3A, %cond3A : i32
    scf.if %cond3A_8 {
      "tpu.region"() ({
        %run_scoped3A = tpu.sem_alloc : memref<!tpu.dma_semaphore, #tpu.memory_space<semaphore_mem>>
        tpu.enqueue_dma source(%arg3 : memref<450x128xf32, #tpu.memory_space<hbm>>) target(%arg6 : memref<450x128xf32, #tpu.memory_space<vmem_shared>>) target_semaphore(%run_scoped3A : memref<!tpu.dma_semaphore, #tpu.memory_space<semaphore_mem>>)
        tpu.wait_dma2 semaphore(%run_scoped3A : memref<!tpu.dma_semaphore, #tpu.memory_space<semaphore_mem>>) src(%arg3 : memref<450x128xf32, #tpu.memory_space<hbm>>) dst(%arg6 : memref<450x128xf32, #tpu.memory_space<vmem_shared>>)
        tpu.yield
      }) : () -> ()
    } else {
    }
    %barrier3A = arith.constant 0 : index
    tpu.barrier barrier_id(%barrier3A)
    %dma_wait3A = arith.constant 0 : i32
    %dma_wait3A_9 = tpu.memref_slice %arg2[%mul3A_2] : memref<320000xi32, #tpu.memory_space<hbm>> -> memref<10000xi32, #tpu.memory_space<hbm>>
    %dma_wait3A_10 = tpu.memref_slice %arg8[%dma_wait3A] : memref<5x!tpu.dma_semaphore, #tpu.memory_space<semaphore_mem>> -> memref<1x!tpu.dma_semaphore, #tpu.memory_space<semaphore_mem>>
    %dma_wait3A_11 = tpu.memref_squeeze %dma_wait3A_10 : memref<1x!tpu.dma_semaphore, #tpu.memory_space<semaphore_mem>> -> memref<!tpu.dma_semaphore, #tpu.memory_space<semaphore_mem>>
    %dma_wait3A_12 = tpu.memref_slice %arg2[%mul3A_2] : memref<320000xi32, #tpu.memory_space<hbm>> -> memref<10000xi32, #tpu.memory_space<hbm>>
    tpu.wait_dma2 semaphore(%dma_wait3A_11 : memref<!tpu.dma_semaphore, #tpu.memory_space<semaphore_mem>>) src(%dma_wait3A_12 : memref<10000xi32, #tpu.memory_space<hbm>>) dst(%arg5 : memref<10000xi32, #tpu.memory_space<vmem>>)
    %dma_start3A_13 = arith.constant 0 : i32
    %dma_start3A_14 = arith.constant 0 : i32
    %dma_start3A_15 = arith.constant 0 : i32
    %dma_start3A_16 = arith.constant 0 : i32
    %dma_start3A_17 = tpu.memref_slice %arg7[%dma_start3A_13, %dma_start3A_15, %dma_start3A_16] : memref<5x80x128xf32, #tpu.memory_space<vmem>> -> memref<1x80x128xf32, #tpu.memory_space<vmem>>
    %dma_start3A_18 = tpu.memref_squeeze %dma_start3A_17 : memref<1x80x128xf32, #tpu.memory_space<vmem>> -> memref<80x128xf32, #tpu.memory_space<vmem>>
    %dma_start3A_19 = arith.constant 0 : i32
    %dma_start3A_20 = tpu.memref_slice %arg5[%dma_start3A_19] : memref<10000xi32, #tpu.memory_space<vmem>> -> memref<80xi32, #tpu.memory_space<vmem>>
    %dma_start3A_21 = arith.constant 0 : i32
    %dma_start3A_22 = arith.constant 0 : i32
    %dma_start3A_23 = tpu.memref_slice %arg6[%dma_start3A_21, %dma_start3A_22] : memref<450x128xf32, #tpu.memory_space<vmem_shared>> -> memref<450x128xf32, #tpu.memory_space<vmem_shared>>
    %dma_start3A_24 = tpu.memref_slice %arg8[%dma_start3A_14] : memref<5x!tpu.dma_semaphore, #tpu.memory_space<semaphore_mem>> -> memref<1x!tpu.dma_semaphore, #tpu.memory_space<semaphore_mem>>
    %dma_start3A_25 = tpu.memref_squeeze %dma_start3A_24 : memref<1x!tpu.dma_semaphore, #tpu.memory_space<semaphore_mem>> -> memref<!tpu.dma_semaphore, #tpu.memory_space<semaphore_mem>>
    tpu.enqueue_indirect_dma source(%dma_start3A_23 : memref<450x128xf32, #tpu.memory_space<vmem_shared>>) target(%dma_start3A_18 : memref<80x128xf32, #tpu.memory_space<vmem>>) offsets(%dma_start3A_20 : memref<80xi32, #tpu.memory_space<vmem>>) semaphore(%dma_start3A_25 : memref<!tpu.dma_semaphore, #tpu.memory_space<semaphore_mem>>)
    %dma_start3A_26 = arith.constant 1 : i32
    %dma_start3A_27 = arith.constant 1 : i32
    %dma_start3A_28 = arith.constant 0 : i32
    %dma_start3A_29 = arith.constant 0 : i32
    %dma_start3A_30 = tpu.memref_slice %arg7[%dma_start3A_26, %dma_start3A_28, %dma_start3A_29] : memref<5x80x128xf32, #tpu.memory_space<vmem>> -> memref<1x80x128xf32, #tpu.memory_space<vmem>>
    %dma_start3A_31 = tpu.memref_squeeze %dma_start3A_30 : memref<1x80x128xf32, #tpu.memory_space<vmem>> -> memref<80x128xf32, #tpu.memory_space<vmem>>
    %dma_start3A_32 = arith.constant 80 : i32
    %dma_start3A_33 = tpu.memref_slice %arg5[%dma_start3A_32] : memref<10000xi32, #tpu.memory_space<vmem>> -> memref<80xi32, #tpu.memory_space<vmem>>
    %dma_start3A_34 = arith.constant 0 : i32
    %dma_start3A_35 = arith.constant 0 : i32
    %dma_start3A_36 = tpu.memref_slice %arg6[%dma_start3A_34, %dma_start3A_35] : memref<450x128xf32, #tpu.memory_space<vmem_shared>> -> memref<450x128xf32, #tpu.memory_space<vmem_shared>>
    %dma_start3A_37 = tpu.memref_slice %arg8[%dma_start3A_27] : memref<5x!tpu.dma_semaphore, #tpu.memory_space<semaphore_mem>> -> memref<1x!tpu.dma_semaphore, #tpu.memory_space<semaphore_mem>>
    %dma_start3A_38 = tpu.memref_squeeze %dma_start3A_37 : memref<1x!tpu.dma_semaphore, #tpu.memory_space<semaphore_mem>> -> memref<!tpu.dma_semaphore, #tpu.memory_space<semaphore_mem>>
    tpu.enqueue_indirect_dma source(%dma_start3A_36 : memref<450x128xf32, #tpu.memory_space<vmem_shared>>) target(%dma_start3A_31 : memref<80x128xf32, #tpu.memory_space<vmem>>) offsets(%dma_start3A_33 : memref<80xi32, #tpu.memory_space<vmem>>) semaphore(%dma_start3A_38 : memref<!tpu.dma_semaphore, #tpu.memory_space<semaphore_mem>>)
    %dma_start3A_39 = arith.constant 2 : i32
    %dma_start3A_40 = arith.constant 2 : i32
    %dma_start3A_41 = arith.constant 0 : i32
    %dma_start3A_42 = arith.constant 0 : i32
    %dma_start3A_43 = tpu.memref_slice %arg7[%dma_start3A_39, %dma_start3A_41, %dma_start3A_42] : memref<5x80x128xf32, #tpu.memory_space<vmem>> -> memref<1x80x128xf32, #tpu.memory_space<vmem>>
    %dma_start3A_44 = tpu.memref_squeeze %dma_start3A_43 : memref<1x80x128xf32, #tpu.memory_space<vmem>> -> memref<80x128xf32, #tpu.memory_space<vmem>>
    %dma_start3A_45 = arith.constant 160 : i32
    %dma_start3A_46 = tpu.memref_slice %arg5[%dma_start3A_45] : memref<10000xi32, #tpu.memory_space<vmem>> -> memref<80xi32, #tpu.memory_space<vmem>>
    %dma_start3A_47 = arith.constant 0 : i32
    %dma_start3A_48 = arith.constant 0 : i32
    %dma_start3A_49 = tpu.memref_slice %arg6[%dma_start3A_47, %dma_start3A_48] : memref<450x128xf32, #tpu.memory_space<vmem_shared>> -> memref<450x128xf32, #tpu.memory_space<vmem_shared>>
    %dma_start3A_50 = tpu.memref_slice %arg8[%dma_start3A_40] : memref<5x!tpu.dma_semaphore, #tpu.memory_space<semaphore_mem>> -> memref<1x!tpu.dma_semaphore, #tpu.memory_space<semaphore_mem>>
    %dma_start3A_51 = tpu.memref_squeeze %dma_start3A_50 : memref<1x!tpu.dma_semaphore, #tpu.memory_space<semaphore_mem>> -> memref<!tpu.dma_semaphore, #tpu.memory_space<semaphore_mem>>
    tpu.enqueue_indirect_dma source(%dma_start3A_49 : memref<450x128xf32, #tpu.memory_space<vmem_shared>>) target(%dma_start3A_44 : memref<80x128xf32, #tpu.memory_space<vmem>>) offsets(%dma_start3A_46 : memref<80xi32, #tpu.memory_space<vmem>>) semaphore(%dma_start3A_51 : memref<!tpu.dma_semaphore, #tpu.memory_space<semaphore_mem>>)
    %dma_start3A_52 = arith.constant 3 : i32
    %dma_start3A_53 = arith.constant 3 : i32
    %dma_start3A_54 = arith.constant 0 : i32
    %dma_start3A_55 = arith.constant 0 : i32
    %dma_start3A_56 = tpu.memref_slice %arg7[%dma_start3A_52, %dma_start3A_54, %dma_start3A_55] : memref<5x80x128xf32, #tpu.memory_space<vmem>> -> memref<1x80x128xf32, #tpu.memory_space<vmem>>
    %dma_start3A_57 = tpu.memref_squeeze %dma_start3A_56 : memref<1x80x128xf32, #tpu.memory_space<vmem>> -> memref<80x128xf32, #tpu.memory_space<vmem>>
    %dma_start3A_58 = arith.constant 240 : i32
    %dma_start3A_59 = tpu.memref_slice %arg5[%dma_start3A_58] : memref<10000xi32, #tpu.memory_space<vmem>> -> memref<80xi32, #tpu.memory_space<vmem>>
    %dma_start3A_60 = arith.constant 0 : i32
    %dma_start3A_61 = arith.constant 0 : i32
    %dma_start3A_62 = tpu.memref_slice %arg6[%dma_start3A_60, %dma_start3A_61] : memref<450x128xf32, #tpu.memory_space<vmem_shared>> -> memref<450x128xf32, #tpu.memory_space<vmem_shared>>
    %dma_start3A_63 = tpu.memref_slice %arg8[%dma_start3A_53] : memref<5x!tpu.dma_semaphore, #tpu.memory_space<semaphore_mem>> -> memref<1x!tpu.dma_semaphore, #tpu.memory_space<semaphore_mem>>
    %dma_start3A_64 = tpu.memref_squeeze %dma_start3A_63 : memref<1x!tpu.dma_semaphore, #tpu.memory_space<semaphore_mem>> -> memref<!tpu.dma_semaphore, #tpu.memory_space<semaphore_mem>>
    tpu.enqueue_indirect_dma source(%dma_start3A_62 : memref<450x128xf32, #tpu.memory_space<vmem_shared>>) target(%dma_start3A_57 : memref<80x128xf32, #tpu.memory_space<vmem>>) offsets(%dma_start3A_59 : memref<80xi32, #tpu.memory_space<vmem>>) semaphore(%dma_start3A_64 : memref<!tpu.dma_semaphore, #tpu.memory_space<semaphore_mem>>)
    %dma_start3A_65 = arith.constant 4 : i32
    %dma_start3A_66 = arith.constant 4 : i32
    %dma_start3A_67 = arith.constant 0 : i32
    %dma_start3A_68 = arith.constant 0 : i32
    %dma_start3A_69 = tpu.memref_slice %arg7[%dma_start3A_65, %dma_start3A_67, %dma_start3A_68] : memref<5x80x128xf32, #tpu.memory_space<vmem>> -> memref<1x80x128xf32, #tpu.memory_space<vmem>>
    %dma_start3A_70 = tpu.memref_squeeze %dma_start3A_69 : memref<1x80x128xf32, #tpu.memory_space<vmem>> -> memref<80x128xf32, #tpu.memory_space<vmem>>
    %dma_start3A_71 = arith.constant 320 : i32
    %dma_start3A_72 = tpu.memref_slice %arg5[%dma_start3A_71] : memref<10000xi32, #tpu.memory_space<vmem>> -> memref<80xi32, #tpu.memory_space<vmem>>
    %dma_start3A_73 = arith.constant 0 : i32
    %dma_start3A_74 = arith.constant 0 : i32
    %dma_start3A_75 = tpu.memref_slice %arg6[%dma_start3A_73, %dma_start3A_74] : memref<450x128xf32, #tpu.memory_space<vmem_shared>> -> memref<450x128xf32, #tpu.memory_space<vmem_shared>>
    %dma_start3A_76 = tpu.memref_slice %arg8[%dma_start3A_66] : memref<5x!tpu.dma_semaphore, #tpu.memory_space<semaphore_mem>> -> memref<1x!tpu.dma_semaphore, #tpu.memory_space<semaphore_mem>>
    %dma_start3A_77 = tpu.memref_squeeze %dma_start3A_76 : memref<1x!tpu.dma_semaphore, #tpu.memory_space<semaphore_mem>> -> memref<!tpu.dma_semaphore, #tpu.memory_space<semaphore_mem>>
    tpu.enqueue_indirect_dma source(%dma_start3A_75 : memref<450x128xf32, #tpu.memory_space<vmem_shared>>) target(%dma_start3A_70 : memref<80x128xf32, #tpu.memory_space<vmem>>) offsets(%dma_start3A_72 : memref<80xi32, #tpu.memory_space<vmem>>) semaphore(%dma_start3A_77 : memref<!tpu.dma_semaphore, #tpu.memory_space<semaphore_mem>>)
    %scan3A = arith.constant 0 : i32
    %scan3A_78 = arith.constant 0 : i32
    %scan3A_79 = arith.constant 25 : i32
    %scan3A_80 = arith.addi %scan3A_78, %scan3A_79 : i32
    %scan3A_81 = arith.constant 1 : i32
    scf.for %scan3A_173 = %scan3A_78 to %scan3A_80 step %scan3A_81  : i32 {
      %mul3A_174 = arith.constant 5 : i32
      %mul3A_175 = arith.muli %scan3A_173, %mul3A_174 : i32
      %add3A_176 = arith.constant 0 : i32
      %add3A_177 = arith.addi %mul3A_175, %add3A_176 : i32
      %dma_wait3A_178 = arith.constant 0 : i32
      %dma_wait3A_179 = arith.constant 0 : i32
      %dma_wait3A_180 = arith.constant 0 : i32
      %dma_wait3A_181 = arith.constant 0 : i32
      %dma_wait3A_182 = tpu.memref_slice %arg7[%dma_wait3A_178, %dma_wait3A_180, %dma_wait3A_181] : memref<5x80x128xf32, #tpu.memory_space<vmem>> -> memref<1x80x128xf32, #tpu.memory_space<vmem>>
      %dma_wait3A_183 = tpu.memref_squeeze %dma_wait3A_182 : memref<1x80x128xf32, #tpu.memory_space<vmem>> -> memref<80x128xf32, #tpu.memory_space<vmem>>
      %dma_wait3A_184 = arith.constant 0 : i32
      %dma_wait3A_185 = arith.constant 0 : i32
      %dma_wait3A_186 = tpu.memref_slice %arg4[%dma_wait3A_184, %dma_wait3A_185] : memref<320000x128xf32, #tpu.memory_space<hbm>> -> memref<80x128xf32, #tpu.memory_space<hbm>>
      %dma_wait3A_187 = tpu.memref_slice %arg8[%dma_wait3A_179] : memref<5x!tpu.dma_semaphore, #tpu.memory_space<semaphore_mem>> -> memref<1x!tpu.dma_semaphore, #tpu.memory_space<semaphore_mem>>
      %dma_wait3A_188 = tpu.memref_squeeze %dma_wait3A_187 : memref<1x!tpu.dma_semaphore, #tpu.memory_space<semaphore_mem>> -> memref<!tpu.dma_semaphore, #tpu.memory_space<semaphore_mem>>
      %dma_wait3A_189 = arith.constant 0 : i32
      %dma_wait3A_190 = arith.constant 0 : i32
      %dma_wait3A_191 = tpu.memref_slice %arg7[%dma_wait3A_178, %dma_wait3A_189, %dma_wait3A_190] : memref<5x80x128xf32, #tpu.memory_space<vmem>> -> memref<1x80x128xf32, #tpu.memory_space<vmem>>
      %dma_wait3A_192 = tpu.memref_squeeze %dma_wait3A_191 : memref<1x80x128xf32, #tpu.memory_space<vmem>> -> memref<80x128xf32, #tpu.memory_space<vmem>>
      %dma_wait3A_193 = arith.constant 0 : i32
      %dma_wait3A_194 = arith.constant 0 : i32
      %dma_wait3A_195 = tpu.memref_slice %arg4[%dma_wait3A_193, %dma_wait3A_194] : memref<320000x128xf32, #tpu.memory_space<hbm>> -> memref<80x128xf32, #tpu.memory_space<hbm>>
      tpu.wait_dma2 semaphore(%dma_wait3A_188 : memref<!tpu.dma_semaphore, #tpu.memory_space<semaphore_mem>>) src(%dma_wait3A_195 : memref<80x128xf32, #tpu.memory_space<hbm>>) dst(%dma_wait3A_192 : memref<80x128xf32, #tpu.memory_space<vmem>>)
      %mul3A_196 = arith.constant 80 : i32
      %mul3A_197 = arith.muli %add3A_177, %mul3A_196 : i32
      %add3A_198 = arith.addi %mul3A_2, %mul3A_197 : i32
      %dma_start3A_199 = arith.constant 0 : i32
      %dma_start3A_200 = arith.constant 0 : i32
      %dma_start3A_201 = arith.constant 0 : i32
      %dma_start3A_202 = arith.constant 0 : i32
      %dma_start3A_203 = tpu.memref_slice %arg7[%dma_start3A_199, %dma_start3A_201, %dma_start3A_202] : memref<5x80x128xf32, #tpu.memory_space<vmem>> -> memref<1x80x128xf32, #tpu.memory_space<vmem>>
      %dma_start3A_204 = tpu.memref_squeeze %dma_start3A_203 : memref<1x80x128xf32, #tpu.memory_space<vmem>> -> memref<80x128xf32, #tpu.memory_space<vmem>>
      %dma_start3A_205 = arith.constant 0 : i32
      %dma_start3A_206 = tpu.memref_slice %arg4[%add3A_198, %dma_start3A_205] : memref<320000x128xf32, #tpu.memory_space<hbm>> -> memref<80x128xf32, #tpu.memory_space<hbm>>
      %dma_start3A_207 = tpu.memref_slice %arg9[%dma_start3A_200] : memref<5x!tpu.dma_semaphore, #tpu.memory_space<semaphore_mem>> -> memref<1x!tpu.dma_semaphore, #tpu.memory_space<semaphore_mem>>
      %dma_start3A_208 = tpu.memref_squeeze %dma_start3A_207 : memref<1x!tpu.dma_semaphore, #tpu.memory_space<semaphore_mem>> -> memref<!tpu.dma_semaphore, #tpu.memory_space<semaphore_mem>>
      %dma_start3A_209 = arith.constant 0 : i32
      %dma_start3A_210 = tpu.memref_slice %arg4[%add3A_198, %dma_start3A_209] : memref<320000x128xf32, #tpu.memory_space<hbm>> -> memref<80x128xf32, #tpu.memory_space<hbm>>
      %dma_start3A_211 = arith.constant 0 : i32
      %dma_start3A_212 = arith.constant 0 : i32
      %dma_start3A_213 = tpu.memref_slice %arg7[%dma_start3A_199, %dma_start3A_211, %dma_start3A_212] : memref<5x80x128xf32, #tpu.memory_space<vmem>> -> memref<1x80x128xf32, #tpu.memory_space<vmem>>
      %dma_start3A_214 = tpu.memref_squeeze %dma_start3A_213 : memref<1x80x128xf32, #tpu.memory_space<vmem>> -> memref<80x128xf32, #tpu.memory_space<vmem>>
      tpu.enqueue_dma source(%dma_start3A_214 : memref<80x128xf32, #tpu.memory_space<vmem>>) target(%dma_start3A_210 : memref<80x128xf32, #tpu.memory_space<hbm>>) target_semaphore(%dma_start3A_208 : memref<!tpu.dma_semaphore, #tpu.memory_space<semaphore_mem>>)
      %add3A_215 = arith.constant 5 : i32
      %add3A_216 = arith.addi %add3A_177, %add3A_215 : i32
      %lt3A = arith.constant 125 : i32
      %lt3A_217 = arith.cmpi slt, %add3A_216, %lt3A : i32
      %convert_element_type3A_218 = arith.extui %lt3A_217 : i1 to i32
      %cond3A_219 = arith.constant 0 : i32
      %cond3A_220 = arith.cmpi ne, %convert_element_type3A_218, %cond3A_219 : i32
      scf.if %cond3A_220 {
        %dma_wait3A_413 = arith.constant 0 : i32
        %dma_wait3A_414 = arith.constant 0 : i32
        %dma_wait3A_415 = arith.constant 0 : i32
        %dma_wait3A_416 = arith.constant 0 : i32
        %dma_wait3A_417 = tpu.memref_slice %arg7[%dma_wait3A_413, %dma_wait3A_415, %dma_wait3A_416] : memref<5x80x128xf32, #tpu.memory_space<vmem>> -> memref<1x80x128xf32, #tpu.memory_space<vmem>>
        %dma_wait3A_418 = tpu.memref_squeeze %dma_wait3A_417 : memref<1x80x128xf32, #tpu.memory_space<vmem>> -> memref<80x128xf32, #tpu.memory_space<vmem>>
        %dma_wait3A_419 = arith.constant 0 : i32
        %dma_wait3A_420 = arith.constant 0 : i32
        %dma_wait3A_421 = tpu.memref_slice %arg4[%dma_wait3A_419, %dma_wait3A_420] : memref<320000x128xf32, #tpu.memory_space<hbm>> -> memref<80x128xf32, #tpu.memory_space<hbm>>
        %dma_wait3A_422 = tpu.memref_slice %arg9[%dma_wait3A_414] : memref<5x!tpu.dma_semaphore, #tpu.memory_space<semaphore_mem>> -> memref<1x!tpu.dma_semaphore, #tpu.memory_space<semaphore_mem>>
        %dma_wait3A_423 = tpu.memref_squeeze %dma_wait3A_422 : memref<1x!tpu.dma_semaphore, #tpu.memory_space<semaphore_mem>> -> memref<!tpu.dma_semaphore, #tpu.memory_space<semaphore_mem>>
        %dma_wait3A_424 = arith.constant 0 : i32
        %dma_wait3A_425 = arith.constant 0 : i32
        %dma_wait3A_426 = tpu.memref_slice %arg4[%dma_wait3A_424, %dma_wait3A_425] : memref<320000x128xf32, #tpu.memory_space<hbm>> -> memref<80x128xf32, #tpu.memory_space<hbm>>
        %dma_wait3A_427 = arith.constant 0 : i32
        %dma_wait3A_428 = arith.constant 0 : i32
        %dma_wait3A_429 = tpu.memref_slice %arg7[%dma_wait3A_413, %dma_wait3A_427, %dma_wait3A_428] : memref<5x80x128xf32, #tpu.memory_space<vmem>> -> memref<1x80x128xf32, #tpu.memory_space<vmem>>
        %dma_wait3A_430 = tpu.memref_squeeze %dma_wait3A_429 : memref<1x80x128xf32, #tpu.memory_space<vmem>> -> memref<80x128xf32, #tpu.memory_space<vmem>>
        tpu.wait_dma2 semaphore(%dma_wait3A_423 : memref<!tpu.dma_semaphore, #tpu.memory_space<semaphore_mem>>) src(%dma_wait3A_430 : memref<80x128xf32, #tpu.memory_space<vmem>>) dst(%dma_wait3A_426 : memref<80x128xf32, #tpu.memory_space<hbm>>)
        %add3A_431 = arith.constant 5 : i32
        %add3A_432 = arith.addi %add3A_177, %add3A_431 : i32
        %mul3A_433 = arith.constant 80 : i32
        %mul3A_434 = arith.muli %add3A_432, %mul3A_433 : i32
        %dma_start3A_435 = arith.constant 0 : i32
        %dma_start3A_436 = arith.constant 0 : i32
        %dma_start3A_437 = arith.constant 0 : i32
        %dma_start3A_438 = arith.constant 0 : i32
        %dma_start3A_439 = tpu.memref_slice %arg7[%dma_start3A_435, %dma_start3A_437, %dma_start3A_438] : memref<5x80x128xf32, #tpu.memory_space<vmem>> -> memref<1x80x128xf32, #tpu.memory_space<vmem>>
        %dma_start3A_440 = tpu.memref_squeeze %dma_start3A_439 : memref<1x80x128xf32, #tpu.memory_space<vmem>> -> memref<80x128xf32, #tpu.memory_space<vmem>>
        %dma_start3A_441 = tpu.memref_slice %arg5[%mul3A_434] : memref<10000xi32, #tpu.memory_space<vmem>> -> memref<80xi32, #tpu.memory_space<vmem>>
        %dma_start3A_442 = arith.constant 0 : i32
        %dma_start3A_443 = arith.constant 0 : i32
        %dma_start3A_444 = tpu.memref_slice %arg6[%dma_start3A_442, %dma_start3A_443] : memref<450x128xf32, #tpu.memory_space<vmem_shared>> -> memref<450x128xf32, #tpu.memory_space<vmem_shared>>
        %dma_start3A_445 = tpu.memref_slice %arg8[%dma_start3A_436] : memref<5x!tpu.dma_semaphore, #tpu.memory_space<semaphore_mem>> -> memref<1x!tpu.dma_semaphore, #tpu.memory_space<semaphore_mem>>
        %dma_start3A_446 = tpu.memref_squeeze %dma_start3A_445 : memref<1x!tpu.dma_semaphore, #tpu.memory_space<semaphore_mem>> -> memref<!tpu.dma_semaphore, #tpu.memory_space<semaphore_mem>>
        tpu.enqueue_indirect_dma source(%dma_start3A_444 : memref<450x128xf32, #tpu.memory_space<vmem_shared>>) target(%dma_start3A_440 : memref<80x128xf32, #tpu.memory_space<vmem>>) offsets(%dma_start3A_441 : memref<80xi32, #tpu.memory_space<vmem>>) semaphore(%dma_start3A_446 : memref<!tpu.dma_semaphore, #tpu.memory_space<semaphore_mem>>)
      } else {
      }
      %mul3A_221 = arith.constant 5 : i32
      %mul3A_222 = arith.muli %scan3A_173, %mul3A_221 : i32
      %add3A_223 = arith.constant 1 : i32
      %add3A_224 = arith.addi %mul3A_222, %add3A_223 : i32
      %dma_wait3A_225 = arith.constant 1 : i32
      %dma_wait3A_226 = arith.constant 1 : i32
      %dma_wait3A_227 = arith.constant 0 : i32
      %dma_wait3A_228 = arith.constant 0 : i32
      %dma_wait3A_229 = tpu.memref_slice %arg7[%dma_wait3A_225, %dma_wait3A_227, %dma_wait3A_228] : memref<5x80x128xf32, #tpu.memory_space<vmem>> -> memref<1x80x128xf32, #tpu.memory_space<vmem>>
      %dma_wait3A_230 = tpu.memref_squeeze %dma_wait3A_229 : memref<1x80x128xf32, #tpu.memory_space<vmem>> -> memref<80x128xf32, #tpu.memory_space<vmem>>
      %dma_wait3A_231 = arith.constant 0 : i32
      %dma_wait3A_232 = arith.constant 0 : i32
      %dma_wait3A_233 = tpu.memref_slice %arg4[%dma_wait3A_231, %dma_wait3A_232] : memref<320000x128xf32, #tpu.memory_space<hbm>> -> memref<80x128xf32, #tpu.memory_space<hbm>>
      %dma_wait3A_234 = tpu.memref_slice %arg8[%dma_wait3A_226] : memref<5x!tpu.dma_semaphore, #tpu.memory_space<semaphore_mem>> -> memref<1x!tpu.dma_semaphore, #tpu.memory_space<semaphore_mem>>
      %dma_wait3A_235 = tpu.memref_squeeze %dma_wait3A_234 : memref<1x!tpu.dma_semaphore, #tpu.memory_space<semaphore_mem>> -> memref<!tpu.dma_semaphore, #tpu.memory_space<semaphore_mem>>
      %dma_wait3A_236 = arith.constant 0 : i32
      %dma_wait3A_237 = arith.constant 0 : i32
      %dma_wait3A_238 = tpu.memref_slice %arg7[%dma_wait3A_225, %dma_wait3A_236, %dma_wait3A_237] : memref<5x80x128xf32, #tpu.memory_space<vmem>> -> memref<1x80x128xf32, #tpu.memory_space<vmem>>
      %dma_wait3A_239 = tpu.memref_squeeze %dma_wait3A_238 : memref<1x80x128xf32, #tpu.memory_space<vmem>> -> memref<80x128xf32, #tpu.memory_space<vmem>>
      %dma_wait3A_240 = arith.constant 0 : i32
      %dma_wait3A_241 = arith.constant 0 : i32
      %dma_wait3A_242 = tpu.memref_slice %arg4[%dma_wait3A_240, %dma_wait3A_241] : memref<320000x128xf32, #tpu.memory_space<hbm>> -> memref<80x128xf32, #tpu.memory_space<hbm>>
      tpu.wait_dma2 semaphore(%dma_wait3A_235 : memref<!tpu.dma_semaphore, #tpu.memory_space<semaphore_mem>>) src(%dma_wait3A_242 : memref<80x128xf32, #tpu.memory_space<hbm>>) dst(%dma_wait3A_239 : memref<80x128xf32, #tpu.memory_space<vmem>>)
      %mul3A_243 = arith.constant 80 : i32
      %mul3A_244 = arith.muli %add3A_224, %mul3A_243 : i32
      %add3A_245 = arith.addi %mul3A_2, %mul3A_244 : i32
      %dma_start3A_246 = arith.constant 1 : i32
      %dma_start3A_247 = arith.constant 1 : i32
      %dma_start3A_248 = arith.constant 0 : i32
      %dma_start3A_249 = arith.constant 0 : i32
      %dma_start3A_250 = tpu.memref_slice %arg7[%dma_start3A_246, %dma_start3A_248, %dma_start3A_249] : memref<5x80x128xf32, #tpu.memory_space<vmem>> -> memref<1x80x128xf32, #tpu.memory_space<vmem>>
      %dma_start3A_251 = tpu.memref_squeeze %dma_start3A_250 : memref<1x80x128xf32, #tpu.memory_space<vmem>> -> memref<80x128xf32, #tpu.memory_space<vmem>>
      %dma_start3A_252 = arith.constant 0 : i32
      %dma_start3A_253 = tpu.memref_slice %arg4[%add3A_245, %dma_start3A_252] : memref<320000x128xf32, #tpu.memory_space<hbm>> -> memref<80x128xf32, #tpu.memory_space<hbm>>
      %dma_start3A_254 = tpu.memref_slice %arg9[%dma_start3A_247] : memref<5x!tpu.dma_semaphore, #tpu.memory_space<semaphore_mem>> -> memref<1x!tpu.dma_semaphore, #tpu.memory_space<semaphore_mem>>
      %dma_start3A_255 = tpu.memref_squeeze %dma_start3A_254 : memref<1x!tpu.dma_semaphore, #tpu.memory_space<semaphore_mem>> -> memref<!tpu.dma_semaphore, #tpu.memory_space<semaphore_mem>>
      %dma_start3A_256 = arith.constant 0 : i32
      %dma_start3A_257 = tpu.memref_slice %arg4[%add3A_245, %dma_start3A_256] : memref<320000x128xf32, #tpu.memory_space<hbm>> -> memref<80x128xf32, #tpu.memory_space<hbm>>
      %dma_start3A_258 = arith.constant 0 : i32
      %dma_start3A_259 = arith.constant 0 : i32
      %dma_start3A_260 = tpu.memref_slice %arg7[%dma_start3A_246, %dma_start3A_258, %dma_start3A_259] : memref<5x80x128xf32, #tpu.memory_space<vmem>> -> memref<1x80x128xf32, #tpu.memory_space<vmem>>
      %dma_start3A_261 = tpu.memref_squeeze %dma_start3A_260 : memref<1x80x128xf32, #tpu.memory_space<vmem>> -> memref<80x128xf32, #tpu.memory_space<vmem>>
      tpu.enqueue_dma source(%dma_start3A_261 : memref<80x128xf32, #tpu.memory_space<vmem>>) target(%dma_start3A_257 : memref<80x128xf32, #tpu.memory_space<hbm>>) target_semaphore(%dma_start3A_255 : memref<!tpu.dma_semaphore, #tpu.memory_space<semaphore_mem>>)
      %add3A_262 = arith.constant 5 : i32
      %add3A_263 = arith.addi %add3A_224, %add3A_262 : i32
      %lt3A_264 = arith.constant 125 : i32
      %lt3A_265 = arith.cmpi slt, %add3A_263, %lt3A_264 : i32
      %convert_element_type3A_266 = arith.extui %lt3A_265 : i1 to i32
      %cond3A_267 = arith.constant 0 : i32
      %cond3A_268 = arith.cmpi ne, %convert_element_type3A_266, %cond3A_267 : i32
      scf.if %cond3A_268 {
        %dma_wait3A_413 = arith.constant 1 : i32
        %dma_wait3A_414 = arith.constant 1 : i32
        %dma_wait3A_415 = arith.constant 0 : i32
        %dma_wait3A_416 = arith.constant 0 : i32
        %dma_wait3A_417 = tpu.memref_slice %arg7[%dma_wait3A_413, %dma_wait3A_415, %dma_wait3A_416] : memref<5x80x128xf32, #tpu.memory_space<vmem>> -> memref<1x80x128xf32, #tpu.memory_space<vmem>>
        %dma_wait3A_418 = tpu.memref_squeeze %dma_wait3A_417 : memref<1x80x128xf32, #tpu.memory_space<vmem>> -> memref<80x128xf32, #tpu.memory_space<vmem>>
        %dma_wait3A_419 = arith.constant 0 : i32
        %dma_wait3A_420 = arith.constant 0 : i32
        %dma_wait3A_421 = tpu.memref_slice %arg4[%dma_wait3A_419, %dma_wait3A_420] : memref<320000x128xf32, #tpu.memory_space<hbm>> -> memref<80x128xf32, #tpu.memory_space<hbm>>
        %dma_wait3A_422 = tpu.memref_slice %arg9[%dma_wait3A_414] : memref<5x!tpu.dma_semaphore, #tpu.memory_space<semaphore_mem>> -> memref<1x!tpu.dma_semaphore, #tpu.memory_space<semaphore_mem>>
        %dma_wait3A_423 = tpu.memref_squeeze %dma_wait3A_422 : memref<1x!tpu.dma_semaphore, #tpu.memory_space<semaphore_mem>> -> memref<!tpu.dma_semaphore, #tpu.memory_space<semaphore_mem>>
        %dma_wait3A_424 = arith.constant 0 : i32
        %dma_wait3A_425 = arith.constant 0 : i32
        %dma_wait3A_426 = tpu.memref_slice %arg4[%dma_wait3A_424, %dma_wait3A_425] : memref<320000x128xf32, #tpu.memory_space<hbm>> -> memref<80x128xf32, #tpu.memory_space<hbm>>
        %dma_wait3A_427 = arith.constant 0 : i32
        %dma_wait3A_428 = arith.constant 0 : i32
        %dma_wait3A_429 = tpu.memref_slice %arg7[%dma_wait3A_413, %dma_wait3A_427, %dma_wait3A_428] : memref<5x80x128xf32, #tpu.memory_space<vmem>> -> memref<1x80x128xf32, #tpu.memory_space<vmem>>
        %dma_wait3A_430 = tpu.memref_squeeze %dma_wait3A_429 : memref<1x80x128xf32, #tpu.memory_space<vmem>> -> memref<80x128xf32, #tpu.memory_space<vmem>>
        tpu.wait_dma2 semaphore(%dma_wait3A_423 : memref<!tpu.dma_semaphore, #tpu.memory_space<semaphore_mem>>) src(%dma_wait3A_430 : memref<80x128xf32, #tpu.memory_space<vmem>>) dst(%dma_wait3A_426 : memref<80x128xf32, #tpu.memory_space<hbm>>)
        %add3A_431 = arith.constant 5 : i32
        %add3A_432 = arith.addi %add3A_224, %add3A_431 : i32
        %mul3A_433 = arith.constant 80 : i32
        %mul3A_434 = arith.muli %add3A_432, %mul3A_433 : i32
        %dma_start3A_435 = arith.constant 1 : i32
        %dma_start3A_436 = arith.constant 1 : i32
        %dma_start3A_437 = arith.constant 0 : i32
        %dma_start3A_438 = arith.constant 0 : i32
        %dma_start3A_439 = tpu.memref_slice %arg7[%dma_start3A_435, %dma_start3A_437, %dma_start3A_438] : memref<5x80x128xf32, #tpu.memory_space<vmem>> -> memref<1x80x128xf32, #tpu.memory_space<vmem>>
        %dma_start3A_440 = tpu.memref_squeeze %dma_start3A_439 : memref<1x80x128xf32, #tpu.memory_space<vmem>> -> memref<80x128xf32, #tpu.memory_space<vmem>>
        %dma_start3A_441 = tpu.memref_slice %arg5[%mul3A_434] : memref<10000xi32, #tpu.memory_space<vmem>> -> memref<80xi32, #tpu.memory_space<vmem>>
        %dma_start3A_442 = arith.constant 0 : i32
        %dma_start3A_443 = arith.constant 0 : i32
        %dma_start3A_444 = tpu.memref_slice %arg6[%dma_start3A_442, %dma_start3A_443] : memref<450x128xf32, #tpu.memory_space<vmem_shared>> -> memref<450x128xf32, #tpu.memory_space<vmem_shared>>
        %dma_start3A_445 = tpu.memref_slice %arg8[%dma_start3A_436] : memref<5x!tpu.dma_semaphore, #tpu.memory_space<semaphore_mem>> -> memref<1x!tpu.dma_semaphore, #tpu.memory_space<semaphore_mem>>
        %dma_start3A_446 = tpu.memref_squeeze %dma_start3A_445 : memref<1x!tpu.dma_semaphore, #tpu.memory_space<semaphore_mem>> -> memref<!tpu.dma_semaphore, #tpu.memory_space<semaphore_mem>>
        tpu.enqueue_indirect_dma source(%dma_start3A_444 : memref<450x128xf32, #tpu.memory_space<vmem_shared>>) target(%dma_start3A_440 : memref<80x128xf32, #tpu.memory_space<vmem>>) offsets(%dma_start3A_441 : memref<80xi32, #tpu.memory_space<vmem>>) semaphore(%dma_start3A_446 : memref<!tpu.dma_semaphore, #tpu.memory_space<semaphore_mem>>)
      } else {
      }
      %mul3A_269 = arith.constant 5 : i32
      %mul3A_270 = arith.muli %scan3A_173, %mul3A_269 : i32
      %add3A_271 = arith.constant 2 : i32
      %add3A_272 = arith.addi %mul3A_270, %add3A_271 : i32
      %dma_wait3A_273 = arith.constant 2 : i32
      %dma_wait3A_274 = arith.constant 2 : i32
      %dma_wait3A_275 = arith.constant 0 : i32
      %dma_wait3A_276 = arith.constant 0 : i32
      %dma_wait3A_277 = tpu.memref_slice %arg7[%dma_wait3A_273, %dma_wait3A_275, %dma_wait3A_276] : memref<5x80x128xf32, #tpu.memory_space<vmem>> -> memref<1x80x128xf32, #tpu.memory_space<vmem>>
      %dma_wait3A_278 = tpu.memref_squeeze %dma_wait3A_277 : memref<1x80x128xf32, #tpu.memory_space<vmem>> -> memref<80x128xf32, #tpu.memory_space<vmem>>
      %dma_wait3A_279 = arith.constant 0 : i32
      %dma_wait3A_280 = arith.constant 0 : i32
      %dma_wait3A_281 = tpu.memref_slice %arg4[%dma_wait3A_279, %dma_wait3A_280] : memref<320000x128xf32, #tpu.memory_space<hbm>> -> memref<80x128xf32, #tpu.memory_space<hbm>>
      %dma_wait3A_282 = tpu.memref_slice %arg8[%dma_wait3A_274] : memref<5x!tpu.dma_semaphore, #tpu.memory_space<semaphore_mem>> -> memref<1x!tpu.dma_semaphore, #tpu.memory_space<semaphore_mem>>
      %dma_wait3A_283 = tpu.memref_squeeze %dma_wait3A_282 : memref<1x!tpu.dma_semaphore, #tpu.memory_space<semaphore_mem>> -> memref<!tpu.dma_semaphore, #tpu.memory_space<semaphore_mem>>
      %dma_wait3A_284 = arith.constant 0 : i32
      %dma_wait3A_285 = arith.constant 0 : i32
      %dma_wait3A_286 = tpu.memref_slice %arg7[%dma_wait3A_273, %dma_wait3A_284, %dma_wait3A_285] : memref<5x80x128xf32, #tpu.memory_space<vmem>> -> memref<1x80x128xf32, #tpu.memory_space<vmem>>
      %dma_wait3A_287 = tpu.memref_squeeze %dma_wait3A_286 : memref<1x80x128xf32, #tpu.memory_space<vmem>> -> memref<80x128xf32, #tpu.memory_space<vmem>>
      %dma_wait3A_288 = arith.constant 0 : i32
      %dma_wait3A_289 = arith.constant 0 : i32
      %dma_wait3A_290 = tpu.memref_slice %arg4[%dma_wait3A_288, %dma_wait3A_289] : memref<320000x128xf32, #tpu.memory_space<hbm>> -> memref<80x128xf32, #tpu.memory_space<hbm>>
      tpu.wait_dma2 semaphore(%dma_wait3A_283 : memref<!tpu.dma_semaphore, #tpu.memory_space<semaphore_mem>>) src(%dma_wait3A_290 : memref<80x128xf32, #tpu.memory_space<hbm>>) dst(%dma_wait3A_287 : memref<80x128xf32, #tpu.memory_space<vmem>>)
      %mul3A_291 = arith.constant 80 : i32
      %mul3A_292 = arith.muli %add3A_272, %mul3A_291 : i32
      %add3A_293 = arith.addi %mul3A_2, %mul3A_292 : i32
      %dma_start3A_294 = arith.constant 2 : i32
      %dma_start3A_295 = arith.constant 2 : i32
      %dma_start3A_296 = arith.constant 0 : i32
      %dma_start3A_297 = arith.constant 0 : i32
      %dma_start3A_298 = tpu.memref_slice %arg7[%dma_start3A_294, %dma_start3A_296, %dma_start3A_297] : memref<5x80x128xf32, #tpu.memory_space<vmem>> -> memref<1x80x128xf32, #tpu.memory_space<vmem>>
      %dma_start3A_299 = tpu.memref_squeeze %dma_start3A_298 : memref<1x80x128xf32, #tpu.memory_space<vmem>> -> memref<80x128xf32, #tpu.memory_space<vmem>>
      %dma_start3A_300 = arith.constant 0 : i32
      %dma_start3A_301 = tpu.memref_slice %arg4[%add3A_293, %dma_start3A_300] : memref<320000x128xf32, #tpu.memory_space<hbm>> -> memref<80x128xf32, #tpu.memory_space<hbm>>
      %dma_start3A_302 = tpu.memref_slice %arg9[%dma_start3A_295] : memref<5x!tpu.dma_semaphore, #tpu.memory_space<semaphore_mem>> -> memref<1x!tpu.dma_semaphore, #tpu.memory_space<semaphore_mem>>
      %dma_start3A_303 = tpu.memref_squeeze %dma_start3A_302 : memref<1x!tpu.dma_semaphore, #tpu.memory_space<semaphore_mem>> -> memref<!tpu.dma_semaphore, #tpu.memory_space<semaphore_mem>>
      %dma_start3A_304 = arith.constant 0 : i32
      %dma_start3A_305 = tpu.memref_slice %arg4[%add3A_293, %dma_start3A_304] : memref<320000x128xf32, #tpu.memory_space<hbm>> -> memref<80x128xf32, #tpu.memory_space<hbm>>
      %dma_start3A_306 = arith.constant 0 : i32
      %dma_start3A_307 = arith.constant 0 : i32
      %dma_start3A_308 = tpu.memref_slice %arg7[%dma_start3A_294, %dma_start3A_306, %dma_start3A_307] : memref<5x80x128xf32, #tpu.memory_space<vmem>> -> memref<1x80x128xf32, #tpu.memory_space<vmem>>
      %dma_start3A_309 = tpu.memref_squeeze %dma_start3A_308 : memref<1x80x128xf32, #tpu.memory_space<vmem>> -> memref<80x128xf32, #tpu.memory_space<vmem>>
      tpu.enqueue_dma source(%dma_start3A_309 : memref<80x128xf32, #tpu.memory_space<vmem>>) target(%dma_start3A_305 : memref<80x128xf32, #tpu.memory_space<hbm>>) target_semaphore(%dma_start3A_303 : memref<!tpu.dma_semaphore, #tpu.memory_space<semaphore_mem>>)
      %add3A_310 = arith.constant 5 : i32
      %add3A_311 = arith.addi %add3A_272, %add3A_310 : i32
      %lt3A_312 = arith.constant 125 : i32
      %lt3A_313 = arith.cmpi slt, %add3A_311, %lt3A_312 : i32
      %convert_element_type3A_314 = arith.extui %lt3A_313 : i1 to i32
      %cond3A_315 = arith.constant 0 : i32
      %cond3A_316 = arith.cmpi ne, %convert_element_type3A_314, %cond3A_315 : i32
      scf.if %cond3A_316 {
        %dma_wait3A_413 = arith.constant 2 : i32
        %dma_wait3A_414 = arith.constant 2 : i32
        %dma_wait3A_415 = arith.constant 0 : i32
        %dma_wait3A_416 = arith.constant 0 : i32
        %dma_wait3A_417 = tpu.memref_slice %arg7[%dma_wait3A_413, %dma_wait3A_415, %dma_wait3A_416] : memref<5x80x128xf32, #tpu.memory_space<vmem>> -> memref<1x80x128xf32, #tpu.memory_space<vmem>>
        %dma_wait3A_418 = tpu.memref_squeeze %dma_wait3A_417 : memref<1x80x128xf32, #tpu.memory_space<vmem>> -> memref<80x128xf32, #tpu.memory_space<vmem>>
        %dma_wait3A_419 = arith.constant 0 : i32
        %dma_wait3A_420 = arith.constant 0 : i32
        %dma_wait3A_421 = tpu.memref_slice %arg4[%dma_wait3A_419, %dma_wait3A_420] : memref<320000x128xf32, #tpu.memory_space<hbm>> -> memref<80x128xf32, #tpu.memory_space<hbm>>
        %dma_wait3A_422 = tpu.memref_slice %arg9[%dma_wait3A_414] : memref<5x!tpu.dma_semaphore, #tpu.memory_space<semaphore_mem>> -> memref<1x!tpu.dma_semaphore, #tpu.memory_space<semaphore_mem>>
        %dma_wait3A_423 = tpu.memref_squeeze %dma_wait3A_422 : memref<1x!tpu.dma_semaphore, #tpu.memory_space<semaphore_mem>> -> memref<!tpu.dma_semaphore, #tpu.memory_space<semaphore_mem>>
        %dma_wait3A_424 = arith.constant 0 : i32
        %dma_wait3A_425 = arith.constant 0 : i32
        %dma_wait3A_426 = tpu.memref_slice %arg4[%dma_wait3A_424, %dma_wait3A_425] : memref<320000x128xf32, #tpu.memory_space<hbm>> -> memref<80x128xf32, #tpu.memory_space<hbm>>
        %dma_wait3A_427 = arith.constant 0 : i32
        %dma_wait3A_428 = arith.constant 0 : i32
        %dma_wait3A_429 = tpu.memref_slice %arg7[%dma_wait3A_413, %dma_wait3A_427, %dma_wait3A_428] : memref<5x80x128xf32, #tpu.memory_space<vmem>> -> memref<1x80x128xf32, #tpu.memory_space<vmem>>
        %dma_wait3A_430 = tpu.memref_squeeze %dma_wait3A_429 : memref<1x80x128xf32, #tpu.memory_space<vmem>> -> memref<80x128xf32, #tpu.memory_space<vmem>>
        tpu.wait_dma2 semaphore(%dma_wait3A_423 : memref<!tpu.dma_semaphore, #tpu.memory_space<semaphore_mem>>) src(%dma_wait3A_430 : memref<80x128xf32, #tpu.memory_space<vmem>>) dst(%dma_wait3A_426 : memref<80x128xf32, #tpu.memory_space<hbm>>)
        %add3A_431 = arith.constant 5 : i32
        %add3A_432 = arith.addi %add3A_272, %add3A_431 : i32
        %mul3A_433 = arith.constant 80 : i32
        %mul3A_434 = arith.muli %add3A_432, %mul3A_433 : i32
        %dma_start3A_435 = arith.constant 2 : i32
        %dma_start3A_436 = arith.constant 2 : i32
        %dma_start3A_437 = arith.constant 0 : i32
        %dma_start3A_438 = arith.constant 0 : i32
        %dma_start3A_439 = tpu.memref_slice %arg7[%dma_start3A_435, %dma_start3A_437, %dma_start3A_438] : memref<5x80x128xf32, #tpu.memory_space<vmem>> -> memref<1x80x128xf32, #tpu.memory_space<vmem>>
        %dma_start3A_440 = tpu.memref_squeeze %dma_start3A_439 : memref<1x80x128xf32, #tpu.memory_space<vmem>> -> memref<80x128xf32, #tpu.memory_space<vmem>>
        %dma_start3A_441 = tpu.memref_slice %arg5[%mul3A_434] : memref<10000xi32, #tpu.memory_space<vmem>> -> memref<80xi32, #tpu.memory_space<vmem>>
        %dma_start3A_442 = arith.constant 0 : i32
        %dma_start3A_443 = arith.constant 0 : i32
        %dma_start3A_444 = tpu.memref_slice %arg6[%dma_start3A_442, %dma_start3A_443] : memref<450x128xf32, #tpu.memory_space<vmem_shared>> -> memref<450x128xf32, #tpu.memory_space<vmem_shared>>
        %dma_start3A_445 = tpu.memref_slice %arg8[%dma_start3A_436] : memref<5x!tpu.dma_semaphore, #tpu.memory_space<semaphore_mem>> -> memref<1x!tpu.dma_semaphore, #tpu.memory_space<semaphore_mem>>
        %dma_start3A_446 = tpu.memref_squeeze %dma_start3A_445 : memref<1x!tpu.dma_semaphore, #tpu.memory_space<semaphore_mem>> -> memref<!tpu.dma_semaphore, #tpu.memory_space<semaphore_mem>>
        tpu.enqueue_indirect_dma source(%dma_start3A_444 : memref<450x128xf32, #tpu.memory_space<vmem_shared>>) target(%dma_start3A_440 : memref<80x128xf32, #tpu.memory_space<vmem>>) offsets(%dma_start3A_441 : memref<80xi32, #tpu.memory_space<vmem>>) semaphore(%dma_start3A_446 : memref<!tpu.dma_semaphore, #tpu.memory_space<semaphore_mem>>)
      } else {
      }
      %mul3A_317 = arith.constant 5 : i32
      %mul3A_318 = arith.muli %scan3A_173, %mul3A_317 : i32
      %add3A_319 = arith.constant 3 : i32
      %add3A_320 = arith.addi %mul3A_318, %add3A_319 : i32
      %dma_wait3A_321 = arith.constant 3 : i32
      %dma_wait3A_322 = arith.constant 3 : i32
      %dma_wait3A_323 = arith.constant 0 : i32
      %dma_wait3A_324 = arith.constant 0 : i32
      %dma_wait3A_325 = tpu.memref_slice %arg7[%dma_wait3A_321, %dma_wait3A_323, %dma_wait3A_324] : memref<5x80x128xf32, #tpu.memory_space<vmem>> -> memref<1x80x128xf32, #tpu.memory_space<vmem>>
      %dma_wait3A_326 = tpu.memref_squeeze %dma_wait3A_325 : memref<1x80x128xf32, #tpu.memory_space<vmem>> -> memref<80x128xf32, #tpu.memory_space<vmem>>
      %dma_wait3A_327 = arith.constant 0 : i32
      %dma_wait3A_328 = arith.constant 0 : i32
      %dma_wait3A_329 = tpu.memref_slice %arg4[%dma_wait3A_327, %dma_wait3A_328] : memref<320000x128xf32, #tpu.memory_space<hbm>> -> memref<80x128xf32, #tpu.memory_space<hbm>>
      %dma_wait3A_330 = tpu.memref_slice %arg8[%dma_wait3A_322] : memref<5x!tpu.dma_semaphore, #tpu.memory_space<semaphore_mem>> -> memref<1x!tpu.dma_semaphore, #tpu.memory_space<semaphore_mem>>
      %dma_wait3A_331 = tpu.memref_squeeze %dma_wait3A_330 : memref<1x!tpu.dma_semaphore, #tpu.memory_space<semaphore_mem>> -> memref<!tpu.dma_semaphore, #tpu.memory_space<semaphore_mem>>
      %dma_wait3A_332 = arith.constant 0 : i32
      %dma_wait3A_333 = arith.constant 0 : i32
      %dma_wait3A_334 = tpu.memref_slice %arg7[%dma_wait3A_321, %dma_wait3A_332, %dma_wait3A_333] : memref<5x80x128xf32, #tpu.memory_space<vmem>> -> memref<1x80x128xf32, #tpu.memory_space<vmem>>
      %dma_wait3A_335 = tpu.memref_squeeze %dma_wait3A_334 : memref<1x80x128xf32, #tpu.memory_space<vmem>> -> memref<80x128xf32, #tpu.memory_space<vmem>>
      %dma_wait3A_336 = arith.constant 0 : i32
      %dma_wait3A_337 = arith.constant 0 : i32
      %dma_wait3A_338 = tpu.memref_slice %arg4[%dma_wait3A_336, %dma_wait3A_337] : memref<320000x128xf32, #tpu.memory_space<hbm>> -> memref<80x128xf32, #tpu.memory_space<hbm>>
      tpu.wait_dma2 semaphore(%dma_wait3A_331 : memref<!tpu.dma_semaphore, #tpu.memory_space<semaphore_mem>>) src(%dma_wait3A_338 : memref<80x128xf32, #tpu.memory_space<hbm>>) dst(%dma_wait3A_335 : memref<80x128xf32, #tpu.memory_space<vmem>>)
      %mul3A_339 = arith.constant 80 : i32
      %mul3A_340 = arith.muli %add3A_320, %mul3A_339 : i32
      %add3A_341 = arith.addi %mul3A_2, %mul3A_340 : i32
      %dma_start3A_342 = arith.constant 3 : i32
      %dma_start3A_343 = arith.constant 3 : i32
      %dma_start3A_344 = arith.constant 0 : i32
      %dma_start3A_345 = arith.constant 0 : i32
      %dma_start3A_346 = tpu.memref_slice %arg7[%dma_start3A_342, %dma_start3A_344, %dma_start3A_345] : memref<5x80x128xf32, #tpu.memory_space<vmem>> -> memref<1x80x128xf32, #tpu.memory_space<vmem>>
      %dma_start3A_347 = tpu.memref_squeeze %dma_start3A_346 : memref<1x80x128xf32, #tpu.memory_space<vmem>> -> memref<80x128xf32, #tpu.memory_space<vmem>>
      %dma_start3A_348 = arith.constant 0 : i32
      %dma_start3A_349 = tpu.memref_slice %arg4[%add3A_341, %dma_start3A_348] : memref<320000x128xf32, #tpu.memory_space<hbm>> -> memref<80x128xf32, #tpu.memory_space<hbm>>
      %dma_start3A_350 = tpu.memref_slice %arg9[%dma_start3A_343] : memref<5x!tpu.dma_semaphore, #tpu.memory_space<semaphore_mem>> -> memref<1x!tpu.dma_semaphore, #tpu.memory_space<semaphore_mem>>
      %dma_start3A_351 = tpu.memref_squeeze %dma_start3A_350 : memref<1x!tpu.dma_semaphore, #tpu.memory_space<semaphore_mem>> -> memref<!tpu.dma_semaphore, #tpu.memory_space<semaphore_mem>>
      %dma_start3A_352 = arith.constant 0 : i32
      %dma_start3A_353 = tpu.memref_slice %arg4[%add3A_341, %dma_start3A_352] : memref<320000x128xf32, #tpu.memory_space<hbm>> -> memref<80x128xf32, #tpu.memory_space<hbm>>
      %dma_start3A_354 = arith.constant 0 : i32
      %dma_start3A_355 = arith.constant 0 : i32
      %dma_start3A_356 = tpu.memref_slice %arg7[%dma_start3A_342, %dma_start3A_354, %dma_start3A_355] : memref<5x80x128xf32, #tpu.memory_space<vmem>> -> memref<1x80x128xf32, #tpu.memory_space<vmem>>
      %dma_start3A_357 = tpu.memref_squeeze %dma_start3A_356 : memref<1x80x128xf32, #tpu.memory_space<vmem>> -> memref<80x128xf32, #tpu.memory_space<vmem>>
      tpu.enqueue_dma source(%dma_start3A_357 : memref<80x128xf32, #tpu.memory_space<vmem>>) target(%dma_start3A_353 : memref<80x128xf32, #tpu.memory_space<hbm>>) target_semaphore(%dma_start3A_351 : memref<!tpu.dma_semaphore, #tpu.memory_space<semaphore_mem>>)
      %add3A_358 = arith.constant 5 : i32
      %add3A_359 = arith.addi %add3A_320, %add3A_358 : i32
      %lt3A_360 = arith.constant 125 : i32
      %lt3A_361 = arith.cmpi slt, %add3A_359, %lt3A_360 : i32
      %convert_element_type3A_362 = arith.extui %lt3A_361 : i1 to i32
      %cond3A_363 = arith.constant 0 : i32
      %cond3A_364 = arith.cmpi ne, %convert_element_type3A_362, %cond3A_363 : i32
      scf.if %cond3A_364 {
        %dma_wait3A_413 = arith.constant 3 : i32
        %dma_wait3A_414 = arith.constant 3 : i32
        %dma_wait3A_415 = arith.constant 0 : i32
        %dma_wait3A_416 = arith.constant 0 : i32
        %dma_wait3A_417 = tpu.memref_slice %arg7[%dma_wait3A_413, %dma_wait3A_415, %dma_wait3A_416] : memref<5x80x128xf32, #tpu.memory_space<vmem>> -> memref<1x80x128xf32, #tpu.memory_space<vmem>>
        %dma_wait3A_418 = tpu.memref_squeeze %dma_wait3A_417 : memref<1x80x128xf32, #tpu.memory_space<vmem>> -> memref<80x128xf32, #tpu.memory_space<vmem>>
        %dma_wait3A_419 = arith.constant 0 : i32
        %dma_wait3A_420 = arith.constant 0 : i32
        %dma_wait3A_421 = tpu.memref_slice %arg4[%dma_wait3A_419, %dma_wait3A_420] : memref<320000x128xf32, #tpu.memory_space<hbm>> -> memref<80x128xf32, #tpu.memory_space<hbm>>
        %dma_wait3A_422 = tpu.memref_slice %arg9[%dma_wait3A_414] : memref<5x!tpu.dma_semaphore, #tpu.memory_space<semaphore_mem>> -> memref<1x!tpu.dma_semaphore, #tpu.memory_space<semaphore_mem>>
        %dma_wait3A_423 = tpu.memref_squeeze %dma_wait3A_422 : memref<1x!tpu.dma_semaphore, #tpu.memory_space<semaphore_mem>> -> memref<!tpu.dma_semaphore, #tpu.memory_space<semaphore_mem>>
        %dma_wait3A_424 = arith.constant 0 : i32
        %dma_wait3A_425 = arith.constant 0 : i32
        %dma_wait3A_426 = tpu.memref_slice %arg4[%dma_wait3A_424, %dma_wait3A_425] : memref<320000x128xf32, #tpu.memory_space<hbm>> -> memref<80x128xf32, #tpu.memory_space<hbm>>
        %dma_wait3A_427 = arith.constant 0 : i32
        %dma_wait3A_428 = arith.constant 0 : i32
        %dma_wait3A_429 = tpu.memref_slice %arg7[%dma_wait3A_413, %dma_wait3A_427, %dma_wait3A_428] : memref<5x80x128xf32, #tpu.memory_space<vmem>> -> memref<1x80x128xf32, #tpu.memory_space<vmem>>
        %dma_wait3A_430 = tpu.memref_squeeze %dma_wait3A_429 : memref<1x80x128xf32, #tpu.memory_space<vmem>> -> memref<80x128xf32, #tpu.memory_space<vmem>>
        tpu.wait_dma2 semaphore(%dma_wait3A_423 : memref<!tpu.dma_semaphore, #tpu.memory_space<semaphore_mem>>) src(%dma_wait3A_430 : memref<80x128xf32, #tpu.memory_space<vmem>>) dst(%dma_wait3A_426 : memref<80x128xf32, #tpu.memory_space<hbm>>)
        %add3A_431 = arith.constant 5 : i32
        %add3A_432 = arith.addi %add3A_320, %add3A_431 : i32
        %mul3A_433 = arith.constant 80 : i32
        %mul3A_434 = arith.muli %add3A_432, %mul3A_433 : i32
        %dma_start3A_435 = arith.constant 3 : i32
        %dma_start3A_436 = arith.constant 3 : i32
        %dma_start3A_437 = arith.constant 0 : i32
        %dma_start3A_438 = arith.constant 0 : i32
        %dma_start3A_439 = tpu.memref_slice %arg7[%dma_start3A_435, %dma_start3A_437, %dma_start3A_438] : memref<5x80x128xf32, #tpu.memory_space<vmem>> -> memref<1x80x128xf32, #tpu.memory_space<vmem>>
        %dma_start3A_440 = tpu.memref_squeeze %dma_start3A_439 : memref<1x80x128xf32, #tpu.memory_space<vmem>> -> memref<80x128xf32, #tpu.memory_space<vmem>>
        %dma_start3A_441 = tpu.memref_slice %arg5[%mul3A_434] : memref<10000xi32, #tpu.memory_space<vmem>> -> memref<80xi32, #tpu.memory_space<vmem>>
        %dma_start3A_442 = arith.constant 0 : i32
        %dma_start3A_443 = arith.constant 0 : i32
        %dma_start3A_444 = tpu.memref_slice %arg6[%dma_start3A_442, %dma_start3A_443] : memref<450x128xf32, #tpu.memory_space<vmem_shared>> -> memref<450x128xf32, #tpu.memory_space<vmem_shared>>
        %dma_start3A_445 = tpu.memref_slice %arg8[%dma_start3A_436] : memref<5x!tpu.dma_semaphore, #tpu.memory_space<semaphore_mem>> -> memref<1x!tpu.dma_semaphore, #tpu.memory_space<semaphore_mem>>
        %dma_start3A_446 = tpu.memref_squeeze %dma_start3A_445 : memref<1x!tpu.dma_semaphore, #tpu.memory_space<semaphore_mem>> -> memref<!tpu.dma_semaphore, #tpu.memory_space<semaphore_mem>>
        tpu.enqueue_indirect_dma source(%dma_start3A_444 : memref<450x128xf32, #tpu.memory_space<vmem_shared>>) target(%dma_start3A_440 : memref<80x128xf32, #tpu.memory_space<vmem>>) offsets(%dma_start3A_441 : memref<80xi32, #tpu.memory_space<vmem>>) semaphore(%dma_start3A_446 : memref<!tpu.dma_semaphore, #tpu.memory_space<semaphore_mem>>)
      } else {
      }
      %mul3A_365 = arith.constant 5 : i32
      %mul3A_366 = arith.muli %scan3A_173, %mul3A_365 : i32
      %add3A_367 = arith.constant 4 : i32
      %add3A_368 = arith.addi %mul3A_366, %add3A_367 : i32
      %dma_wait3A_369 = arith.constant 4 : i32
      %dma_wait3A_370 = arith.constant 4 : i32
      %dma_wait3A_371 = arith.constant 0 : i32
      %dma_wait3A_372 = arith.constant 0 : i32
      %dma_wait3A_373 = tpu.memref_slice %arg7[%dma_wait3A_369, %dma_wait3A_371, %dma_wait3A_372] : memref<5x80x128xf32, #tpu.memory_space<vmem>> -> memref<1x80x128xf32, #tpu.memory_space<vmem>>
      %dma_wait3A_374 = tpu.memref_squeeze %dma_wait3A_373 : memref<1x80x128xf32, #tpu.memory_space<vmem>> -> memref<80x128xf32, #tpu.memory_space<vmem>>
      %dma_wait3A_375 = arith.constant 0 : i32
      %dma_wait3A_376 = arith.constant 0 : i32
      %dma_wait3A_377 = tpu.memref_slice %arg4[%dma_wait3A_375, %dma_wait3A_376] : memref<320000x128xf32, #tpu.memory_space<hbm>> -> memref<80x128xf32, #tpu.memory_space<hbm>>
      %dma_wait3A_378 = tpu.memref_slice %arg8[%dma_wait3A_370] : memref<5x!tpu.dma_semaphore, #tpu.memory_space<semaphore_mem>> -> memref<1x!tpu.dma_semaphore, #tpu.memory_space<semaphore_mem>>
      %dma_wait3A_379 = tpu.memref_squeeze %dma_wait3A_378 : memref<1x!tpu.dma_semaphore, #tpu.memory_space<semaphore_mem>> -> memref<!tpu.dma_semaphore, #tpu.memory_space<semaphore_mem>>
      %dma_wait3A_380 = arith.constant 0 : i32
      %dma_wait3A_381 = arith.constant 0 : i32
      %dma_wait3A_382 = tpu.memref_slice %arg7[%dma_wait3A_369, %dma_wait3A_380, %dma_wait3A_381] : memref<5x80x128xf32, #tpu.memory_space<vmem>> -> memref<1x80x128xf32, #tpu.memory_space<vmem>>
      %dma_wait3A_383 = tpu.memref_squeeze %dma_wait3A_382 : memref<1x80x128xf32, #tpu.memory_space<vmem>> -> memref<80x128xf32, #tpu.memory_space<vmem>>
      %dma_wait3A_384 = arith.constant 0 : i32
      %dma_wait3A_385 = arith.constant 0 : i32
      %dma_wait3A_386 = tpu.memref_slice %arg4[%dma_wait3A_384, %dma_wait3A_385] : memref<320000x128xf32, #tpu.memory_space<hbm>> -> memref<80x128xf32, #tpu.memory_space<hbm>>
      tpu.wait_dma2 semaphore(%dma_wait3A_379 : memref<!tpu.dma_semaphore, #tpu.memory_space<semaphore_mem>>) src(%dma_wait3A_386 : memref<80x128xf32, #tpu.memory_space<hbm>>) dst(%dma_wait3A_383 : memref<80x128xf32, #tpu.memory_space<vmem>>)
      %mul3A_387 = arith.constant 80 : i32
      %mul3A_388 = arith.muli %add3A_368, %mul3A_387 : i32
      %add3A_389 = arith.addi %mul3A_2, %mul3A_388 : i32
      %dma_start3A_390 = arith.constant 4 : i32
      %dma_start3A_391 = arith.constant 4 : i32
      %dma_start3A_392 = arith.constant 0 : i32
      %dma_start3A_393 = arith.constant 0 : i32
      %dma_start3A_394 = tpu.memref_slice %arg7[%dma_start3A_390, %dma_start3A_392, %dma_start3A_393] : memref<5x80x128xf32, #tpu.memory_space<vmem>> -> memref<1x80x128xf32, #tpu.memory_space<vmem>>
      %dma_start3A_395 = tpu.memref_squeeze %dma_start3A_394 : memref<1x80x128xf32, #tpu.memory_space<vmem>> -> memref<80x128xf32, #tpu.memory_space<vmem>>
      %dma_start3A_396 = arith.constant 0 : i32
      %dma_start3A_397 = tpu.memref_slice %arg4[%add3A_389, %dma_start3A_396] : memref<320000x128xf32, #tpu.memory_space<hbm>> -> memref<80x128xf32, #tpu.memory_space<hbm>>
      %dma_start3A_398 = tpu.memref_slice %arg9[%dma_start3A_391] : memref<5x!tpu.dma_semaphore, #tpu.memory_space<semaphore_mem>> -> memref<1x!tpu.dma_semaphore, #tpu.memory_space<semaphore_mem>>
      %dma_start3A_399 = tpu.memref_squeeze %dma_start3A_398 : memref<1x!tpu.dma_semaphore, #tpu.memory_space<semaphore_mem>> -> memref<!tpu.dma_semaphore, #tpu.memory_space<semaphore_mem>>
      %dma_start3A_400 = arith.constant 0 : i32
      %dma_start3A_401 = tpu.memref_slice %arg4[%add3A_389, %dma_start3A_400] : memref<320000x128xf32, #tpu.memory_space<hbm>> -> memref<80x128xf32, #tpu.memory_space<hbm>>
      %dma_start3A_402 = arith.constant 0 : i32
      %dma_start3A_403 = arith.constant 0 : i32
      %dma_start3A_404 = tpu.memref_slice %arg7[%dma_start3A_390, %dma_start3A_402, %dma_start3A_403] : memref<5x80x128xf32, #tpu.memory_space<vmem>> -> memref<1x80x128xf32, #tpu.memory_space<vmem>>
      %dma_start3A_405 = tpu.memref_squeeze %dma_start3A_404 : memref<1x80x128xf32, #tpu.memory_space<vmem>> -> memref<80x128xf32, #tpu.memory_space<vmem>>
      tpu.enqueue_dma source(%dma_start3A_405 : memref<80x128xf32, #tpu.memory_space<vmem>>) target(%dma_start3A_401 : memref<80x128xf32, #tpu.memory_space<hbm>>) target_semaphore(%dma_start3A_399 : memref<!tpu.dma_semaphore, #tpu.memory_space<semaphore_mem>>)
      %add3A_406 = arith.constant 5 : i32
      %add3A_407 = arith.addi %add3A_368, %add3A_406 : i32
      %lt3A_408 = arith.constant 125 : i32
      %lt3A_409 = arith.cmpi slt, %add3A_407, %lt3A_408 : i32
      %convert_element_type3A_410 = arith.extui %lt3A_409 : i1 to i32
      %cond3A_411 = arith.constant 0 : i32
      %cond3A_412 = arith.cmpi ne, %convert_element_type3A_410, %cond3A_411 : i32
      scf.if %cond3A_412 {
        %dma_wait3A_413 = arith.constant 4 : i32
        %dma_wait3A_414 = arith.constant 4 : i32
        %dma_wait3A_415 = arith.constant 0 : i32
        %dma_wait3A_416 = arith.constant 0 : i32
        %dma_wait3A_417 = tpu.memref_slice %arg7[%dma_wait3A_413, %dma_wait3A_415, %dma_wait3A_416] : memref<5x80x128xf32, #tpu.memory_space<vmem>> -> memref<1x80x128xf32, #tpu.memory_space<vmem>>
        %dma_wait3A_418 = tpu.memref_squeeze %dma_wait3A_417 : memref<1x80x128xf32, #tpu.memory_space<vmem>> -> memref<80x128xf32, #tpu.memory_space<vmem>>
        %dma_wait3A_419 = arith.constant 0 : i32
        %dma_wait3A_420 = arith.constant 0 : i32
        %dma_wait3A_421 = tpu.memref_slice %arg4[%dma_wait3A_419, %dma_wait3A_420] : memref<320000x128xf32, #tpu.memory_space<hbm>> -> memref<80x128xf32, #tpu.memory_space<hbm>>
        %dma_wait3A_422 = tpu.memref_slice %arg9[%dma_wait3A_414] : memref<5x!tpu.dma_semaphore, #tpu.memory_space<semaphore_mem>> -> memref<1x!tpu.dma_semaphore, #tpu.memory_space<semaphore_mem>>
        %dma_wait3A_423 = tpu.memref_squeeze %dma_wait3A_422 : memref<1x!tpu.dma_semaphore, #tpu.memory_space<semaphore_mem>> -> memref<!tpu.dma_semaphore, #tpu.memory_space<semaphore_mem>>
        %dma_wait3A_424 = arith.constant 0 : i32
        %dma_wait3A_425 = arith.constant 0 : i32
        %dma_wait3A_426 = tpu.memref_slice %arg4[%dma_wait3A_424, %dma_wait3A_425] : memref<320000x128xf32, #tpu.memory_space<hbm>> -> memref<80x128xf32, #tpu.memory_space<hbm>>
        %dma_wait3A_427 = arith.constant 0 : i32
        %dma_wait3A_428 = arith.constant 0 : i32
        %dma_wait3A_429 = tpu.memref_slice %arg7[%dma_wait3A_413, %dma_wait3A_427, %dma_wait3A_428] : memref<5x80x128xf32, #tpu.memory_space<vmem>> -> memref<1x80x128xf32, #tpu.memory_space<vmem>>
        %dma_wait3A_430 = tpu.memref_squeeze %dma_wait3A_429 : memref<1x80x128xf32, #tpu.memory_space<vmem>> -> memref<80x128xf32, #tpu.memory_space<vmem>>
        tpu.wait_dma2 semaphore(%dma_wait3A_423 : memref<!tpu.dma_semaphore, #tpu.memory_space<semaphore_mem>>) src(%dma_wait3A_430 : memref<80x128xf32, #tpu.memory_space<vmem>>) dst(%dma_wait3A_426 : memref<80x128xf32, #tpu.memory_space<hbm>>)
        %add3A_431 = arith.constant 5 : i32
        %add3A_432 = arith.addi %add3A_368, %add3A_431 : i32
        %mul3A_433 = arith.constant 80 : i32
        %mul3A_434 = arith.muli %add3A_432, %mul3A_433 : i32
        %dma_start3A_435 = arith.constant 4 : i32
        %dma_start3A_436 = arith.constant 4 : i32
        %dma_start3A_437 = arith.constant 0 : i32
        %dma_start3A_438 = arith.constant 0 : i32
        %dma_start3A_439 = tpu.memref_slice %arg7[%dma_start3A_435, %dma_start3A_437, %dma_start3A_438] : memref<5x80x128xf32, #tpu.memory_space<vmem>> -> memref<1x80x128xf32, #tpu.memory_space<vmem>>
        %dma_start3A_440 = tpu.memref_squeeze %dma_start3A_439 : memref<1x80x128xf32, #tpu.memory_space<vmem>> -> memref<80x128xf32, #tpu.memory_space<vmem>>
        %dma_start3A_441 = tpu.memref_slice %arg5[%mul3A_434] : memref<10000xi32, #tpu.memory_space<vmem>> -> memref<80xi32, #tpu.memory_space<vmem>>
        %dma_start3A_442 = arith.constant 0 : i32
        %dma_start3A_443 = arith.constant 0 : i32
        %dma_start3A_444 = tpu.memref_slice %arg6[%dma_start3A_442, %dma_start3A_443] : memref<450x128xf32, #tpu.memory_space<vmem_shared>> -> memref<450x128xf32, #tpu.memory_space<vmem_shared>>
        %dma_start3A_445 = tpu.memref_slice %arg8[%dma_start3A_436] : memref<5x!tpu.dma_semaphore, #tpu.memory_space<semaphore_mem>> -> memref<1x!tpu.dma_semaphore, #tpu.memory_space<semaphore_mem>>
        %dma_start3A_446 = tpu.memref_squeeze %dma_start3A_445 : memref<1x!tpu.dma_semaphore, #tpu.memory_space<semaphore_mem>> -> memref<!tpu.dma_semaphore, #tpu.memory_space<semaphore_mem>>
        tpu.enqueue_indirect_dma source(%dma_start3A_444 : memref<450x128xf32, #tpu.memory_space<vmem_shared>>) target(%dma_start3A_440 : memref<80x128xf32, #tpu.memory_space<vmem>>) offsets(%dma_start3A_441 : memref<80xi32, #tpu.memory_space<vmem>>) semaphore(%dma_start3A_446 : memref<!tpu.dma_semaphore, #tpu.memory_space<semaphore_mem>>)
      } else {
      }
    }
    %scan3A_82 = arith.constant 25 : i32
    %dma_wait3A_83 = arith.constant 0 : i32
    %dma_wait3A_84 = arith.constant 0 : i32
    %dma_wait3A_85 = arith.constant 0 : i32
    %dma_wait3A_86 = arith.constant 0 : i32
    %dma_wait3A_87 = tpu.memref_slice %arg7[%dma_wait3A_83, %dma_wait3A_85, %dma_wait3A_86] : memref<5x80x128xf32, #tpu.memory_space<vmem>> -> memref<1x80x128xf32, #tpu.memory_space<vmem>>
    %dma_wait3A_88 = tpu.memref_squeeze %dma_wait3A_87 : memref<1x80x128xf32, #tpu.memory_space<vmem>> -> memref<80x128xf32, #tpu.memory_space<vmem>>
    %dma_wait3A_89 = arith.constant 0 : i32
    %dma_wait3A_90 = arith.constant 0 : i32
    %dma_wait3A_91 = tpu.memref_slice %arg4[%dma_wait3A_89, %dma_wait3A_90] : memref<320000x128xf32, #tpu.memory_space<hbm>> -> memref<80x128xf32, #tpu.memory_space<hbm>>
    %dma_wait3A_92 = tpu.memref_slice %arg9[%dma_wait3A_84] : memref<5x!tpu.dma_semaphore, #tpu.memory_space<semaphore_mem>> -> memref<1x!tpu.dma_semaphore, #tpu.memory_space<semaphore_mem>>
    %dma_wait3A_93 = tpu.memref_squeeze %dma_wait3A_92 : memref<1x!tpu.dma_semaphore, #tpu.memory_space<semaphore_mem>> -> memref<!tpu.dma_semaphore, #tpu.memory_space<semaphore_mem>>
    %dma_wait3A_94 = arith.constant 0 : i32
    %dma_wait3A_95 = arith.constant 0 : i32
    %dma_wait3A_96 = tpu.memref_slice %arg4[%dma_wait3A_94, %dma_wait3A_95] : memref<320000x128xf32, #tpu.memory_space<hbm>> -> memref<80x128xf32, #tpu.memory_space<hbm>>
    %dma_wait3A_97 = arith.constant 0 : i32
    %dma_wait3A_98 = arith.constant 0 : i32
    %dma_wait3A_99 = tpu.memref_slice %arg7[%dma_wait3A_83, %dma_wait3A_97, %dma_wait3A_98] : memref<5x80x128xf32, #tpu.memory_space<vmem>> -> memref<1x80x128xf32, #tpu.memory_space<vmem>>
    %dma_wait3A_100 = tpu.memref_squeeze %dma_wait3A_99 : memref<1x80x128xf32, #tpu.memory_space<vmem>> -> memref<80x128xf32, #tpu.memory_space<vmem>>
    tpu.wait_dma2 semaphore(%dma_wait3A_93 : memref<!tpu.dma_semaphore, #tpu.memory_space<semaphore_mem>>) src(%dma_wait3A_100 : memref<80x128xf32, #tpu.memory_space<vmem>>) dst(%dma_wait3A_96 : memref<80x128xf32, #tpu.memory_space<hbm>>)
    %dma_wait3A_101 = arith.constant 1 : i32
    %dma_wait3A_102 = arith.constant 1 : i32
    %dma_wait3A_103 = arith.constant 0 : i32
    %dma_wait3A_104 = arith.constant 0 : i32
    %dma_wait3A_105 = tpu.memref_slice %arg7[%dma_wait3A_101, %dma_wait3A_103, %dma_wait3A_104] : memref<5x80x128xf32, #tpu.memory_space<vmem>> -> memref<1x80x128xf32, #tpu.memory_space<vmem>>
    %dma_wait3A_106 = tpu.memref_squeeze %dma_wait3A_105 : memref<1x80x128xf32, #tpu.memory_space<vmem>> -> memref<80x128xf32, #tpu.memory_space<vmem>>
    %dma_wait3A_107 = arith.constant 0 : i32
    %dma_wait3A_108 = arith.constant 0 : i32
    %dma_wait3A_109 = tpu.memref_slice %arg4[%dma_wait3A_107, %dma_wait3A_108] : memref<320000x128xf32, #tpu.memory_space<hbm>> -> memref<80x128xf32, #tpu.memory_space<hbm>>
    %dma_wait3A_110 = tpu.memref_slice %arg9[%dma_wait3A_102] : memref<5x!tpu.dma_semaphore, #tpu.memory_space<semaphore_mem>> -> memref<1x!tpu.dma_semaphore, #tpu.memory_space<semaphore_mem>>
    %dma_wait3A_111 = tpu.memref_squeeze %dma_wait3A_110 : memref<1x!tpu.dma_semaphore, #tpu.memory_space<semaphore_mem>> -> memref<!tpu.dma_semaphore, #tpu.memory_space<semaphore_mem>>
    %dma_wait3A_112 = arith.constant 0 : i32
    %dma_wait3A_113 = arith.constant 0 : i32
    %dma_wait3A_114 = tpu.memref_slice %arg4[%dma_wait3A_112, %dma_wait3A_113] : memref<320000x128xf32, #tpu.memory_space<hbm>> -> memref<80x128xf32, #tpu.memory_space<hbm>>
    %dma_wait3A_115 = arith.constant 0 : i32
    %dma_wait3A_116 = arith.constant 0 : i32
    %dma_wait3A_117 = tpu.memref_slice %arg7[%dma_wait3A_101, %dma_wait3A_115, %dma_wait3A_116] : memref<5x80x128xf32, #tpu.memory_space<vmem>> -> memref<1x80x128xf32, #tpu.memory_space<vmem>>
    %dma_wait3A_118 = tpu.memref_squeeze %dma_wait3A_117 : memref<1x80x128xf32, #tpu.memory_space<vmem>> -> memref<80x128xf32, #tpu.memory_space<vmem>>
    tpu.wait_dma2 semaphore(%dma_wait3A_111 : memref<!tpu.dma_semaphore, #tpu.memory_space<semaphore_mem>>) src(%dma_wait3A_118 : memref<80x128xf32, #tpu.memory_space<vmem>>) dst(%dma_wait3A_114 : memref<80x128xf32, #tpu.memory_space<hbm>>)
    %dma_wait3A_119 = arith.constant 2 : i32
    %dma_wait3A_120 = arith.constant 2 : i32
    %dma_wait3A_121 = arith.constant 0 : i32
    %dma_wait3A_122 = arith.constant 0 : i32
    %dma_wait3A_123 = tpu.memref_slice %arg7[%dma_wait3A_119, %dma_wait3A_121, %dma_wait3A_122] : memref<5x80x128xf32, #tpu.memory_space<vmem>> -> memref<1x80x128xf32, #tpu.memory_space<vmem>>
    %dma_wait3A_124 = tpu.memref_squeeze %dma_wait3A_123 : memref<1x80x128xf32, #tpu.memory_space<vmem>> -> memref<80x128xf32, #tpu.memory_space<vmem>>
    %dma_wait3A_125 = arith.constant 0 : i32
    %dma_wait3A_126 = arith.constant 0 : i32
    %dma_wait3A_127 = tpu.memref_slice %arg4[%dma_wait3A_125, %dma_wait3A_126] : memref<320000x128xf32, #tpu.memory_space<hbm>> -> memref<80x128xf32, #tpu.memory_space<hbm>>
    %dma_wait3A_128 = tpu.memref_slice %arg9[%dma_wait3A_120] : memref<5x!tpu.dma_semaphore, #tpu.memory_space<semaphore_mem>> -> memref<1x!tpu.dma_semaphore, #tpu.memory_space<semaphore_mem>>
    %dma_wait3A_129 = tpu.memref_squeeze %dma_wait3A_128 : memref<1x!tpu.dma_semaphore, #tpu.memory_space<semaphore_mem>> -> memref<!tpu.dma_semaphore, #tpu.memory_space<semaphore_mem>>
    %dma_wait3A_130 = arith.constant 0 : i32
    %dma_wait3A_131 = arith.constant 0 : i32
    %dma_wait3A_132 = tpu.memref_slice %arg4[%dma_wait3A_130, %dma_wait3A_131] : memref<320000x128xf32, #tpu.memory_space<hbm>> -> memref<80x128xf32, #tpu.memory_space<hbm>>
    %dma_wait3A_133 = arith.constant 0 : i32
    %dma_wait3A_134 = arith.constant 0 : i32
    %dma_wait3A_135 = tpu.memref_slice %arg7[%dma_wait3A_119, %dma_wait3A_133, %dma_wait3A_134] : memref<5x80x128xf32, #tpu.memory_space<vmem>> -> memref<1x80x128xf32, #tpu.memory_space<vmem>>
    %dma_wait3A_136 = tpu.memref_squeeze %dma_wait3A_135 : memref<1x80x128xf32, #tpu.memory_space<vmem>> -> memref<80x128xf32, #tpu.memory_space<vmem>>
    tpu.wait_dma2 semaphore(%dma_wait3A_129 : memref<!tpu.dma_semaphore, #tpu.memory_space<semaphore_mem>>) src(%dma_wait3A_136 : memref<80x128xf32, #tpu.memory_space<vmem>>) dst(%dma_wait3A_132 : memref<80x128xf32, #tpu.memory_space<hbm>>)
    %dma_wait3A_137 = arith.constant 3 : i32
    %dma_wait3A_138 = arith.constant 3 : i32
    %dma_wait3A_139 = arith.constant 0 : i32
    %dma_wait3A_140 = arith.constant 0 : i32
    %dma_wait3A_141 = tpu.memref_slice %arg7[%dma_wait3A_137, %dma_wait3A_139, %dma_wait3A_140] : memref<5x80x128xf32, #tpu.memory_space<vmem>> -> memref<1x80x128xf32, #tpu.memory_space<vmem>>
    %dma_wait3A_142 = tpu.memref_squeeze %dma_wait3A_141 : memref<1x80x128xf32, #tpu.memory_space<vmem>> -> memref<80x128xf32, #tpu.memory_space<vmem>>
    %dma_wait3A_143 = arith.constant 0 : i32
    %dma_wait3A_144 = arith.constant 0 : i32
    %dma_wait3A_145 = tpu.memref_slice %arg4[%dma_wait3A_143, %dma_wait3A_144] : memref<320000x128xf32, #tpu.memory_space<hbm>> -> memref<80x128xf32, #tpu.memory_space<hbm>>
    %dma_wait3A_146 = tpu.memref_slice %arg9[%dma_wait3A_138] : memref<5x!tpu.dma_semaphore, #tpu.memory_space<semaphore_mem>> -> memref<1x!tpu.dma_semaphore, #tpu.memory_space<semaphore_mem>>
    %dma_wait3A_147 = tpu.memref_squeeze %dma_wait3A_146 : memref<1x!tpu.dma_semaphore, #tpu.memory_space<semaphore_mem>> -> memref<!tpu.dma_semaphore, #tpu.memory_space<semaphore_mem>>
    %dma_wait3A_148 = arith.constant 0 : i32
    %dma_wait3A_149 = arith.constant 0 : i32
    %dma_wait3A_150 = tpu.memref_slice %arg4[%dma_wait3A_148, %dma_wait3A_149] : memref<320000x128xf32, #tpu.memory_space<hbm>> -> memref<80x128xf32, #tpu.memory_space<hbm>>
    %dma_wait3A_151 = arith.constant 0 : i32
    %dma_wait3A_152 = arith.constant 0 : i32
    %dma_wait3A_153 = tpu.memref_slice %arg7[%dma_wait3A_137, %dma_wait3A_151, %dma_wait3A_152] : memref<5x80x128xf32, #tpu.memory_space<vmem>> -> memref<1x80x128xf32, #tpu.memory_space<vmem>>
    %dma_wait3A_154 = tpu.memref_squeeze %dma_wait3A_153 : memref<1x80x128xf32, #tpu.memory_space<vmem>> -> memref<80x128xf32, #tpu.memory_space<vmem>>
    tpu.wait_dma2 semaphore(%dma_wait3A_147 : memref<!tpu.dma_semaphore, #tpu.memory_space<semaphore_mem>>) src(%dma_wait3A_154 : memref<80x128xf32, #tpu.memory_space<vmem>>) dst(%dma_wait3A_150 : memref<80x128xf32, #tpu.memory_space<hbm>>)
    %dma_wait3A_155 = arith.constant 4 : i32
    %dma_wait3A_156 = arith.constant 4 : i32
    %dma_wait3A_157 = arith.constant 0 : i32
    %dma_wait3A_158 = arith.constant 0 : i32
    %dma_wait3A_159 = tpu.memref_slice %arg7[%dma_wait3A_155, %dma_wait3A_157, %dma_wait3A_158] : memref<5x80x128xf32, #tpu.memory_space<vmem>> -> memref<1x80x128xf32, #tpu.memory_space<vmem>>
    %dma_wait3A_160 = tpu.memref_squeeze %dma_wait3A_159 : memref<1x80x128xf32, #tpu.memory_space<vmem>> -> memref<80x128xf32, #tpu.memory_space<vmem>>
    %dma_wait3A_161 = arith.constant 0 : i32
    %dma_wait3A_162 = arith.constant 0 : i32
    %dma_wait3A_163 = tpu.memref_slice %arg4[%dma_wait3A_161, %dma_wait3A_162] : memref<320000x128xf32, #tpu.memory_space<hbm>> -> memref<80x128xf32, #tpu.memory_space<hbm>>
    %dma_wait3A_164 = tpu.memref_slice %arg9[%dma_wait3A_156] : memref<5x!tpu.dma_semaphore, #tpu.memory_space<semaphore_mem>> -> memref<1x!tpu.dma_semaphore, #tpu.memory_space<semaphore_mem>>
    %dma_wait3A_165 = tpu.memref_squeeze %dma_wait3A_164 : memref<1x!tpu.dma_semaphore, #tpu.memory_space<semaphore_mem>> -> memref<!tpu.dma_semaphore, #tpu.memory_space<semaphore_mem>>
    %dma_wait3A_166 = arith.constant 0 : i32
    %dma_wait3A_167 = arith.constant 0 : i32
    %dma_wait3A_168 = tpu.memref_slice %arg4[%dma_wait3A_166, %dma_wait3A_167] : memref<320000x128xf32, #tpu.memory_space<hbm>> -> memref<80x128xf32, #tpu.memory_space<hbm>>
    %dma_wait3A_169 = arith.constant 0 : i32
    %dma_wait3A_170 = arith.constant 0 : i32
    %dma_wait3A_171 = tpu.memref_slice %arg7[%dma_wait3A_155, %dma_wait3A_169, %dma_wait3A_170] : memref<5x80x128xf32, #tpu.memory_space<vmem>> -> memref<1x80x128xf32, #tpu.memory_space<vmem>>
    %dma_wait3A_172 = tpu.memref_squeeze %dma_wait3A_171 : memref<1x80x128xf32, #tpu.memory_space<vmem>> -> memref<80x128xf32, #tpu.memory_space<vmem>>
    tpu.wait_dma2 semaphore(%dma_wait3A_165 : memref<!tpu.dma_semaphore, #tpu.memory_space<semaphore_mem>>) src(%dma_wait3A_172 : memref<80x128xf32, #tpu.memory_space<vmem>>) dst(%dma_wait3A_168 : memref<80x128xf32, #tpu.memory_space<hbm>>)
    return
  }
}

module attributes {stable_mosaic.version = 14 : i64} {
  func.func @_idx_body(%arg0: memref<3x320000xi32, #tpu.memory_space<vmem>>, %arg1: memref<320000xi32, #tpu.memory_space<vmem>>) attributes {dimension_semantics = [], scalar_prefetch = 0 : i64, scratch_operands = 0 : i64, tpu.core_type = #tpu.core_type<tc>} {
    %get3A = arith.constant 0 : index
    %get3A_0 = arith.constant 0 : index
    %get3A_1 = vector.load %arg0[%get3A, %get3A_0] : memref<3x320000xi32, #tpu.memory_space<vmem>>, vector<3x320000xi32>
    %slice3A = vector.extract_strided_slice %get3A_1 {offsets = [1, 0], sizes = [1, 320000], strides = [1, 1]} : vector<3x320000xi32> to vector<1x320000xi32>
    %squeeze3A = vector.shape_cast %slice3A : vector<1x320000xi32> to vector<320000xi32>
    %add3A = arith.constant 7 : i32
    %add3A_2 = vector.broadcast %add3A : i32 to vector<320000xi32>
    %add3A_3 = arith.addi %squeeze3A, %add3A_2 : vector<320000xi32>
    %mul3A = arith.constant 15 : i32
    %mul3A_4 = vector.broadcast %mul3A : i32 to vector<320000xi32>
    %mul3A_5 = arith.muli %add3A_3, %mul3A_4 : vector<320000xi32>
    %slice3A_6 = vector.extract_strided_slice %get3A_1 {offsets = [2, 0], sizes = [1, 320000], strides = [1, 1]} : vector<3x320000xi32> to vector<1x320000xi32>
    %squeeze3A_7 = vector.shape_cast %slice3A_6 : vector<1x320000xi32> to vector<320000xi32>
    %add3A_8 = arith.constant 7 : i32
    %add3A_9 = vector.broadcast %add3A_8 : i32 to vector<320000xi32>
    %add3A_10 = arith.addi %squeeze3A_7, %add3A_9 : vector<320000xi32>
    %add3A_11 = arith.addi %mul3A_5, %add3A_10 : vector<320000xi32>
    %mul3A_12 = arith.constant 2 : i32
    %mul3A_13 = vector.broadcast %mul3A_12 : i32 to vector<320000xi32>
    %mul3A_14 = arith.muli %mul3A_13, %add3A_11 : vector<320000xi32>
    %slice3A_15 = vector.extract_strided_slice %get3A_1 {offsets = [0, 0], sizes = [1, 320000], strides = [1, 1]} : vector<3x320000xi32> to vector<1x320000xi32>
    %squeeze3A_16 = vector.shape_cast %slice3A_15 : vector<1x320000xi32> to vector<320000xi32>
    %add3A_17 = arith.addi %mul3A_14, %squeeze3A_16 : vector<320000xi32>
    %swap3A = arith.constant 0 : index
    %swap3A_18 = vector.load %arg1[%swap3A] : memref<320000xi32, #tpu.memory_space<vmem>>, vector<320000xi32>
    tpu.vector_store %arg1[%swap3A], %add3A_17 {strides = array<i32>} : memref<320000xi32, #tpu.memory_space<vmem>>, vector<320000xi32>,
    return
  }
}

</mosaic_0001>

<sc_bundles>
// kernel: kernel.4.cloned.1.call-start
scs
__scs_entry_jumppad:
0x0: {  	(pc) =	sbr.rel $0x88, $3  }
0x1: {  	(tag) =	ssettag $0x0;
	lr =	simm.s32 $0x1  }
0x2: {  	[smem:$0x3F9F] =	sst lr;
	_ =	strace $0xD0000000  }
0x3: {  	_ = 	snop  }
0x4: {  	_ = 	snop  }
0x5: {  	_ = 	snop  }
0x6: {  	_ = 	snop  }
0x7: {  	_ = 	snop  }
__scs_overlays_trampoline_lowered:
0x8: {  	[smem:$0x3FAE] =	sst s0  }
0x9: {  	[smem:$0x3FAF] =	sst s1  }
0xa: {  	[smem:$0x3FB0] =	sst s2  }
0xb: {  	[smem:$0x3FB1] =	sst s3  }
0xc: {  	[smem:$0x3FB2] =	sst s4  }
0xd: {  	[smem:$0x3FB3] =	sst s5  }
0xe: {  	[smem:$0x3FB4] =	sst s6  }
0xf: {  	[smem:$0x3FB5] =	sst s7  }
0x10: {  	[smem:$0x3FB6] =	sst s8  }
0x11: {  	[smem:$0x3FB7] =	sst s9;
	s0 =	simm.s32 @!p0 $0x0  }
0x12: {  	s1 =	sld [smem:$0x3F9D];
	s0 =	simm.s32 @p0 $0x1  }
0x13: {  	[smem:$0x3FB8] =	sst s0;
	s0 =	simm.s32 @!p1 $0x0  }
0x14: {  	s2 =	sld [smem:$0x3F9C];
	s0 =	simm.s32 @p1 $0x1  }
0x15: {  	[smem:$0x3FB9] =	sst s0;
	s0 =	simm.s32 @!p2 $0x0  }
0x16: {  	s3 =	sld [smem:$0x3FDB];
	s0 =	simm.s32 @p2 $0x1  }
0x17: {  	s4 =	simm.s32 $0x1BF5;
	[smem:$0x3FBB] =	sst s0  }
0x18: {  	s0 =	sld [smem:$0x3F9E];
	_ =	swait.ge [sflag:s4], $0x0  }
0x19: {  	s7 =	sld [smem:$0x3F9F]  }
0x1a: {  	s8 =	sadd.s32 $0xFFFFE003, lr  }
0x1b: {  	s9 =	sadd.s32 $0xFFFFFEF7, lr;
	s5 =	simm.s32 $0xFFFFFFFF;
	p2 =	slt.u32 s8, $0xFFFFF086  }
0x1c: {  	p1 =	slt.u32 s9, $0xF7A;
	s5 =	simm.s32 @!p2 $0x0  }
0x1d: {  	s5 =	simm.s32 @p1 $0x1;
	p0 =	seq.s32 s7, s2  }
0x1e: {  	s7 =	smul.u32 @!p0 $0xF7A, s2;
	p2 =	seq.s32 @!p0 s5, $0x0  }
0x1f: {  	s9 =	smul.u32 $0xF7A, s1;
	s8 =	simm.s32 @!p0 $0x1BF5;
	p2 =	por !p2, p0  }
0x20: {  	[sflag:s8] =	ssyncset.s32 @!p0 $0xFFFFF086;
	s6 =	sadd.s32 @!p0 s3, s7;
	s7 =	simm.s32 @!p0 $0x108  }
0x21: {  	s3 =	sadd.s32 s3, s9;
	s6 =	sadd.s32 @!p0 $0x88, s6;
	s7 =	simm.s32 @p2 $0x1082  }
0x22: {  	[simem:s7], [sflag:s8] =	dma.local @!p0 [hbm:s6], $0xF7A  }
0x23: {  	s9 =	sor.u32 $0xD0000000, s2;
	s6 =	simm.s32 $0x108;
	_ =	swait.ge @!p0 [sflag:s8], $0x0  }
0x24: {  	s3 =	sadd.s32 $0x88, s3;
	s6 =	simm.s32 @!p1 $0x1082;
	[sflag:s4] =	ssyncset.s32 $0xFFFFF086  }
0x25: {  	[simem:s6], [sflag:s4] =	dma.local [hbm:s3], $0xF7A  }
0x26: {  	[smem:$0x3F9F] =	sst s1;
	(tag) =	ssettag s2;
	_ =	strace s9  }
0x27: {  	s1 =	sld [smem:$0x3FAF]  }
0x28: {  	s2 =	sld [smem:$0x3FB0]  }
0x29: {  	s4 =	sld [smem:$0x3FB2]  }
0x2a: {  	p0 =	seq.s32 s5, $0x0;
	s5 =	sld [smem:$0x3FB3]  }
0x2b: {  	s6 =	sld [smem:$0x3FB4]  }
0x2c: {  	s7 =	sld [smem:$0x3FB5]  }
0x2d: {  	s3 =	simm.s32 $0x108;
	s8 =	sld [smem:$0x3FB6]  }
0x2e: {  	s3 =	simm.s32 @!p0 $0x1082;
	s9 =	sld [smem:$0x3FB7]  }
0x2f: {  	lr =	sadd.s32 s0, s3;
	s0 =	sld [smem:$0x3FAE]  }
0x30: {  	s3 =	sld [smem:$0x3FB1]  }
0x31: {  	[smem:$0x3FBA] =	sst s10  }
0x32: {  	s10 =	sld [smem:$0x3FB8];
	_ =	sdelay $0x3  }
0x33: {  	p0 =	seq.s32 s10, $0x1;
	s10 =	sld [smem:$0x3FBA];
	_ =	sdelay $0x3  }
0x34: {  	[smem:$0x3FBA] =	sst s10  }
0x35: {  	s10 =	sld [smem:$0x3FB9];
	_ =	sdelay $0x3  }
0x36: {  	p1 =	seq.s32 s10, $0x1;
	s10 =	sld [smem:$0x3FBA];
	_ =	sdelay $0x3  }
0x37: {  	[smem:$0x3FBA] =	sst s10  }
0x38: {  	s10 =	sld [smem:$0x3FBB]  }
0x39: {  	_ = 	snop;
	(pc) =	sbr.ind lr, $3  }
0x3a: {  	_ = 	snop  }
0x3b: {  	_ = 	snop  }
0x3c: {  	p2 =	seq.s32 s10, $0x1;
	s10 =	sld [smem:$0x3FBA]  }
0x3d: {  	_ =	shalt  }
0x3e: {  	_ =	shalt  }
0x3f: {  	_ =	shalt  }
0x40: {  	_ =	shalt  }
0x41: {  	_ =	shalt  }
0x42: {  	_ =	shalt  }
0x43: {  	_ =	shalt  }
0x44: {  	_ =	shalt  }
0x45: {  	_ =	shalt  }
0x46: {  	_ =	shalt  }
0x47: {  	_ =	shalt  }
0x48: {  	_ =	shalt  }
0x49: {  	_ =	shalt  }
0x4a: {  	_ =	shalt  }
0x4b: {  	_ =	shalt  }
0x4c: {  	_ =	shalt  }
0x4d: {  	_ =	shalt  }
0x4e: {  	_ =	shalt  }
0x4f: {  	_ =	shalt  }
0x50: {  	_ =	shalt  }
0x51: {  	_ =	shalt  }
0x52: {  	_ =	shalt  }
0x53: {  	_ =	shalt  }
0x54: {  	_ =	shalt  }
0x55: {  	_ =	shalt  }
0x56: {  	_ =	shalt  }
0x57: {  	_ =	shalt  }
0x58: {  	_ =	shalt  }
0x59: {  	_ =	shalt  }
0x5a: {  	_ =	shalt  }
0x5b: {  	_ =	shalt  }
0x5c: {  	_ =	shalt  }
0x5d: {  	_ =	shalt  }
0x5e: {  	_ =	shalt  }
0x5f: {  	_ =	shalt  }
0x60: {  	_ =	shalt  }
0x61: {  	_ =	shalt  }
0x62: {  	_ =	shalt  }
0x63: {  	_ =	shalt  }
0x64: {  	_ =	shalt  }
0x65: {  	_ =	shalt  }
0x66: {  	_ =	shalt  }
0x67: {  	_ =	shalt  }
0x68: {  	_ =	shalt  }
0x69: {  	_ =	shalt  }
0x6a: {  	_ =	shalt  }
0x6b: {  	_ =	shalt  }
0x6c: {  	_ =	shalt  }
0x6d: {  	_ =	shalt  }
0x6e: {  	_ =	shalt  }
0x6f: {  	_ =	shalt  }
0x70: {  	_ =	shalt  }
0x71: {  	_ =	shalt  }
0x72: {  	_ =	shalt  }
0x73: {  	_ =	shalt  }
0x74: {  	_ =	shalt  }
0x75: {  	_ =	shalt  }
0x76: {  	_ =	shalt  }
0x77: {  	_ =	shalt  }
0x78: {  	_ =	shalt  }
0x79: {  	_ =	shalt  }
0x7a: {  	_ =	shalt  }
0x7b: {  	_ =	shalt  }
0x7c: {  	_ =	shalt  }
0x7d: {  	_ =	shalt  }
0x7e: {  	_ =	shalt  }
0x7f: {  	_ =	shalt  }
0x80: {  	_ =	shalt  }
0x81: {  	_ =	shalt  }
0x82: {  	_ =	shalt  }
0x83: {  	_ =	shalt  }
0x84: {  	_ =	shalt  }
0x85: {  	_ =	shalt  }
0x86: {  	_ =	shalt  }
0x87: {  	_ =	shalt  }
.Lfunc_end0:
.L_simem_size_0:
called_computation_lowered:
.L_overlay_start_0:
0x88: {  	s2 =	sld [smem:$0x3FD9]  }
0x89: {  	s3 =	sld [smem:$0x3FFE];
	_ =	sdelay $0x1  }
0x8a: {  	s1 =	srdreg.scid  }
0x8b: {  	s0 =	sand.u32 $0x1, s1  }
0x8c: {  	s17 =	sshll.u32 s0, $0xA;
	s2 =	sadd.s32 s3, s2  }
0x8d: {  	s2 =	sadd.s32 s2, s17  }
0x8e: {  	[smem:$0x3FC6] =	sst s2  }
0x8f: {  	_ = 	snop  }
0x90: {  	s2 =	sld [smem:$0x3FC8]  }
0x91: {  	s18 =	sld [smem:$0x3FD0];
	(tm) =	ssettm $0x1  }
0x92: {  	s4 =	sld [smem:$0x3FFB];
	_ =	sdelay $0x3  }
0x93: {  	_ =	strace s4  }
0x94: {  	s4 =	sld [smem:$0x3FFC];
	_ =	sdelay $0x3  }
0x95: {  	_ =	strace s4  }
0x96: {  	s4 =	sld [smem:$0x3FFD];
	_ =	sdelay $0x3  }
0x97: {  	_ =	strace s4  }
0x98: {  	_ =	strace $0x8FFFFFFF  }
0x99: {  	s19 =	sld [smem:$0x3FDB];
	_ =	sdelay $0x1  }
0x9a: {  	s5 =	simm.s32 $_scs_section_size  }
0x9b: {  	s6 =	simm.s32 $_size__tile_overlayer_lowered;
	s7 =	simm.s32 $_tile_overlayer_lowered  }
0x9c: {  	s22 =	simm.s32 $0x1BFF;
	s21 =	sshll.u32 s7, $0x1;
	s4 =	sadd.s32 s5, s19  }
0x9d: {  	s8 =	simm.s32 $0x0;
	s20 =	sshll.u32 s6, $0x1;
	s6 =	sadd.s32 s21, s4  }
0x9e: {  	[timem:s8], [sflag:s22] =	dma.local [hbm:s6], s20  }
0x9f: {  	_ =	swait.ge [sflag:s22], s20  }
0xa0: {  	s5 =	ssub.s32 $0x0, s20;
	[sflag:s22] =	ssyncset.done $0x0  }
0xa1: {  	[sflag:s22] =	ssyncadd.s32 s5;
	_ =	sdelay $0x1  }
0xa2: {  	s23 =	simm.s32 $0x1B8B  }
0xa3: {  	_ =	swait.ge [sflag:s23], $0x1  }
0xa4: {  	[sflag:s23] =	ssyncset.done $0x0  }
0xa5: {  	s25 =	simm.s32 $0x1B8E;
	s24 =	sld [smem:$0x3FFE];
	[sflag:s23] =	ssyncadd.s32 $0xFFFFFFFF  }
0xa6: {  	s26 =	simm.s32 $execute0_lowered;
	[smem:$0x3FD2] =	sst s25  }
0xa7: {  	s6 =	sshll.u32 s26, $0x1;
	_ =	strace $0x80000046;
	[dreg:$0x1] =	wrdreg $0xFFFFFFFF  }
0xa8: {  	s28 =	simm.s32 $_size_execute0_lowered;
	s4 =	sadd.s32 s4, s6;
	[dreg:$0x0] =	wrdreg $0x0  }
0xa9: {  	s6 =	sshll.u32 s28, $0x1;
	[dreg:$0x2] =	wrdreg s4  }
0xaa: {  	[dreg:$0x3] =	wrdreg s6  }
0xab: {  	[dreg:$0x4] =	wrdreg $0xC0  }
0xac: {  	_ =	task [dreg:s8], $0x5FFFF  }
0xad: {  	[dreg:$0x1] =	wrdreg $0xFFFFFFFF  }
0xae: {  	[dreg:$0x0] =	wrdreg $0x60  }
0xaf: {  	[dreg:$0x2] =	wrdreg s24  }
0xb0: {  	[dreg:$0x3] =	wrdreg s2  }
0xb1: {  	[dreg:$0x4] =	wrdreg s18  }
0xb2: {  	[dreg:$0x5] =	wrdreg $0x27800  }
0xb3: {  	[dreg:$0x6] =	wrdreg $0x9  }
0xb4: {  	_ =	task.clear_ibuf [dreg:s8], $0x7FFFF;
	_ =	strace $0x90000046  }
0xb5: {  	s29 =	simm.s32 $0x9;
	_ =	strace $0x80000048  }
0xb6: {  	_ =	swait.ge [sflag:s29], $0x1  }
0xb7: {  	[sflag:s29] =	ssyncadd.s32 $0xFFFFFFFF  }
0xb8: {  	_ =	strace $0x90000048  }
0xb9: {  	_ =	sfence  }
0xba: {  	s30 =	sld [smem:$0x0];
	_ =	sdelay $0x2  }
0xbb: {  	s31 =	sshll.u32 s1, $0xD;
	s1 =	sshrl.u32 s1, $0x2  }
0xbc: {  	s3 =	sand.u32 $0x4000, s31;
	s1 =	sadd.s32 s1, s30  }
0xbd: {  	s0 =	sor.u32 s3, s0;
	s1 =	sshll.u32 s1, $0x11  }
0xbe: {  	s0 =	sor.u32 s1, s0  }
0xbf: {  	s0 =	sadd.s32 $0x8F2B, s0  }
0xc0: {  	[sflag:s0] =	ssyncadd.remote.s32 $0x1  }
0xc1: {  	_ =	sfence.sel $0xFFFF  }
0xc2: {  	[dreg:$0x0] =	wrdreg $0xFFFFFFFF;
	(pc) =	sbr.abs _section_cstart, $3  }
0xc3: {  	[dreg:$0x1] =	wrdreg $0xFFFFFFFF  }
0xc4: {  	_ =	task.clear_ibuf [dreg:s8], $0x2FFFF;
	_ =	strace $0x9FFFFFFF  }
0xc5: {  	(tm) =	ssettm $0x7FFFFFFF  }
tec
execute0_lowered:
.L_overlay_start_1:
0x0: {  	(tag) =	ssettag $0x1  }
0x1: {  	s4 =	rddreg [dreg:$0x0]  }
0x2: {  	s6 =	rddreg [dreg:$0x2]  }
0x3: {  	s1 =	srdreg.scid;
	s7 =	stileid.u32  }
0x4: {  	s2 =	rddreg [dreg:$0x3];
	s3 =	simm.s32 $0x0;
	s12 =	simm.s32 $0x3590  }
0x5: {  	s15 =	simm.s32 $0x8590;
	s17 =	simm.s32 $0xAD90;
	s18 =	simm.s32 $0x140  }
0x6: {  	s19 =	simm.s32 $0xD590;
	s20 =	simm.s32 $0x3;
	s21 =	simm.s32 $0x5  }
0x7: {  	s22 =	simm.s32 $0x6;
	s23 =	simm.s32 $0x7;
	s24 =	simm.s32 $0x8  }
0x8: {  	s25 =	simm.s32 $0x9;
	s26 =	simm.s32 $0xA;
	s28 =	simm.s32 $0x0  }
0x9: {  	s5 =	sand.u32 $0x1, s1;
	s8 =	sshll.u32 s7, $0x1;
	s11 =	smul.u32 $0x4E200, s7  }
0xa: {  	[smem:$0x7FF] =	sst s3;
	s8 =	sor.u32 s5, s8;
	s30 =	smul.u32 $0x27100, s5  }
0xb: {  	p0 =	sne.s32 s7, $0x0;
	s10 =	ssub.s32 $0x2, s5;
	s9 =	smul.u32 $0x2710, s8  }
0xc: {  	_ =	strace $0x80000047;
	s8 =	smul.u32 $0x27100, s8;
	s29 =	sshrl.u32 s10, $0x1  }
.Ltmp0:
0xd: {  	s31 =	sadd.s32 s11, s6;
	s9 =	sshrl.u32 s9, $0x3;
	(pc) =	sbr.rel .LBB2_1-.Ltmp0, $4  }
0xe: {  	s11 =	simm.s32 $0x50;
	s8 =	sadd.s32 s6, s8;
	s4 =	sadd.s32 s9, s4  }
0xf: {  	s9 =	ssub.s32 s10, s29;
	s6 =	sadd.s32 $0x25D00, s8;
	s7 =	sadd.s32 $0x26700, s8  }
0x10: {  	s10 =	simm.s32 $0x1;
	s5 =	smax.u32 s9, $0x1;
	s9 =	sadd.s32 s30, s31  }
0x11: {  	s4 =	sadd.s32 $0x800, s4;
	s8 =	sadd.s32 $0x1400, s9;
	s9 =	sshrl.u32 @!p0 s2, $0x3  }
.LBB2_4:
0x12: {  	_ =	swait.ge [sflag:s22], $0x2800  }
0x13: {  	[sflag:s22] =	ssyncset.done $0x0  }
0x14: {  	[sflag:s22] =	ssyncadd.s32 $0xFFFFD800  }
0x15: {  	_ =	swait.ge [sflag:s23], $0x2800  }
0x16: {  	[sflag:s23] =	ssyncset.done $0x0  }
0x17: {  	[sflag:s23] =	ssyncadd.s32 $0xFFFFD800  }
0x18: {  	_ =	swait.ge [sflag:s24], $0x2800  }
0x19: {  	[sflag:s24] =	ssyncset.done $0x0  }
0x1a: {  	s28 =	sadd.s32 $0x1, s28;
	[sflag:s24] =	ssyncadd.s32 $0xFFFFD800  }
0x1b: {  	p1 =	sne.s32 s28, s5;
	_ =	swait.ge [sflag:s25], $0x2800  }
.Ltmp1:
0x1c: {  	[sflag:s25] =	ssyncset.done $0x0;
	(pc) =	sbr.rel @!p1 .LBB2_5-.Ltmp1, $4  }
0x1d: {  	[sflag:s25] =	ssyncadd.s32 $0xFFFFD800  }
0x1e: {  	_ =	swait.ge [sflag:s26], $0x2800  }
0x1f: {  	[sflag:s26] =	ssyncset.done $0x0  }
0x20: {  	[sflag:s26] =	ssyncadd.s32 $0xFFFFD800  }
.LBB2_1:
0x21: {  	[tilespmem:s3], [sflag:$0x1] =	stream.linear.gather [hbm4b:s4+s3], $0x2710, $0x38;
	[tilespmem:$0xFD90] =	vst v63  }
0x22: {  	s29 =	simm.s32 @!p0 $0x1C0B;
	s0 =	rddreg [dreg:$0x1]  }
0x23: {  	[spmem:s9], [sflag:s29] =	dma.local @!p0 [hbm:s0], $0x1C20  }
0x24: {  	s29 =	simm.s32 @!p0 $0xB  }
0x25: {  	_ =	swait.ge @!p0 [sflag:s29], $0x1C20  }
0x26: {  	[sflag:s29] =	ssyncset.done @!p0 $0x0  }
0x27: {  	[sflag:s29] =	ssyncadd.s32 @!p0 $0xFFFFE3E0  }
0x28: {  	[bflag:$0x0] =	sbarrier.arrive $0xFFFF  }
0x29: {  	_ =	swait.ge [sflag:s10], $0x2710  }
0x2a: {  	[sflag:s10] =	ssyncset.done $0x0  }
0x2b: {  	[sflag:s10] =	ssyncadd.s32 $0xFFFFD8F0  }
0x2c: {  	[tilespmem:s12], [sflag:$0x1] =	stream.indirect.gather [spmem:s2], $0x80, s3, s11, $0xb8;
	[tilespmem:$0xFD90] =	vst v63  }
0x2d: {  	s14 =	simm.s32 $0x5D90  }
0x2e: {  	[tilespmem:s14], [sflag:$0x2] =	stream.indirect.gather [spmem:s2], $0x80, s11, s11, $0xb8;
	[tilespmem:$0xFD90] =	vst v63  }
0x2f: {  	s16 =	simm.s32 $0xA0  }
0x30: {  	[tilespmem:s15], [sflag:$0x3] =	stream.indirect.gather [spmem:s2], $0x80, s16, s11, $0xb8;
	[tilespmem:$0xFD90] =	vst v63  }
0x31: {  	s31 =	simm.s32 $0xF0  }
0x32: {  	[tilespmem:s17], [sflag:$0x4] =	stream.indirect.gather [spmem:s2], $0x80, s31, s11, $0xb8;
	[tilespmem:$0xFD90] =	vst v63  }
0x33: {  	s30 =	simm.s32 $0x0;
	s29 =	smov.u32 s8  }
0x34: {  	[tilespmem:s19], [sflag:$0x5] =	stream.indirect.gather [spmem:s2], $0x80, s18, s11, $0xb8;
	[tilespmem:$0xFD90] =	vst v63  }
.LBB2_2:
0x35: {  	_ =	swait.ge [sflag:s10], $0x2800  }
0x36: {  	[sflag:s10] =	ssyncset.done $0x0  }
0x37: {  	s31 =	sadd.s32 $0xFFFFEC00, s29;
	p1 =	seq.s32 s30, $0x9600;
	[sflag:s10] =	ssyncadd.s32 $0xFFFFD800  }
0x38: {  	[hbm4b:s31+s3] =	stream.linear.scatter [tilespmem:s12], [sflag:$0x6], $0x2800, $0x38;
	[tilespmem:$0xFD90] =	vst v63  }
0x39: {  	s31 =	simm.s32 @p1 $0x2  }
0x3a: {  	_ =	swait.ge @p1 [sflag:s31], $0x2800  }
0x3b: {  	[sflag:s31] =	ssyncset.done @p1 $0x0  }
0x3c: {  	s1 =	simm.s32 @p1 $0x5D90;
	[sflag:s31] =	ssyncadd.s32 @p1 $0xFFFFD800;
	s31 =	simm.s32 @p1 $0x0  }
0x3d: {  	[hbm4b:s6+s31] =	stream.linear.scatter @p1 [tilespmem:s1], [sflag:$0x7], $0x2800, $0x38;
	[tilespmem:$0xFD90] =	vst v63  }
0x3e: {  	s1 =	simm.s32 @!p1 $0x6  }
0x3f: {  	_ =	swait.ge @!p1 [sflag:s1], $0x2800  }
0x40: {  	[sflag:s1] =	ssyncset.done @!p1 $0x0  }
0x41: {  	[sflag:s1] =	ssyncadd.s32 @!p1 $0xFFFFD800;
	s1 =	sshra.s32 @!p1 s30, $0x2  }
0x42: {  	s13 =	simm.s32 @!p1 $0x50;
	s14 =	simm.s32 @!p1 $0x3590;
	s0 =	sadd.s32 @!p1 $0x190, s1  }
0x43: {  	[tilespmem:s14], [sflag:$0x1] =	stream.indirect.gather @!p1 [spmem:s2], $0x80, s0, s13, $0xb8;
	[tilespmem:$0xFD90] =	vst v63  }
0x44: {  	s0 =	simm.s32 @!p1 $0x2  }
0x45: {  	_ =	swait.ge @!p1 [sflag:s0], $0x2800  }
0x46: {  	s16 =	simm.s32 @!p1 $0x5D90;
	[sflag:s0] =	ssyncset.done @!p1 $0x0  }
0x47: {  	s14 =	simm.s32 @!p1 $0x0;
	[sflag:s0] =	ssyncadd.s32 @!p1 $0xFFFFD800;
	s0 =	sadd.s32 @!p1 $0xFFFFF100, s29  }
0x48: {  	[hbm4b:s0+s14] =	stream.linear.scatter @!p1 [tilespmem:s16], [sflag:$0x7], $0x2800, $0x38;
	[tilespmem:$0xFD90] =	vst v63  }
0x49: {  	s0 =	simm.s32 @!p1 $0x7  }
0x4a: {  	_ =	swait.ge @!p1 [sflag:s0], $0x2800  }
0x4b: {  	[sflag:s0] =	ssyncset.done @!p1 $0x0  }
0x4c: {  	[sflag:s0] =	ssyncadd.s32 @!p1 $0xFFFFD800;
	s0 =	sadd.s32 @!p1 $0x1E0, s1  }
0x4d: {  	[tilespmem:s16], [sflag:$0x2] =	stream.indirect.gather @!p1 [spmem:s2], $0x80, s0, s13, $0xb8;
	[tilespmem:$0xFD90] =	vst v63  }
0x4e: {  	_ =	swait.ge [sflag:s20], $0x2800  }
0x4f: {  	[sflag:s20] =	ssyncset.done $0x0  }
0x50: {  	s16 =	sadd.s32 $0xFFFFF600, s29;
	s0 =	simm.s32 @p1 $0x4;
	[sflag:s20] =	ssyncadd.s32 $0xFFFFD800  }
0x51: {  	[hbm4b:s16+s3] =	stream.linear.scatter [tilespmem:s15], [sflag:$0x8], $0x2800, $0x38;
	[tilespmem:$0xFD90] =	vst v63  }
0x52: {  	_ =	swait.ge @p1 [sflag:s0], $0x2800  }
0x53: {  	[sflag:s0] =	ssyncset.done @p1 $0x0  }
0x54: {  	[sflag:s0] =	ssyncadd.s32 @p1 $0xFFFFD800;
	s0 =	simm.s32 @p1 $0xAD90  }
0x55: {  	[hbm4b:s7+s31] =	stream.linear.scatter @p1 [tilespmem:s0], [sflag:$0x9], $0x2800, $0x38;
	[tilespmem:$0xFD90] =	vst v63  }
0x56: {  	s0 =	simm.s32 @!p1 $0x8  }
0x57: {  	_ =	swait.ge @!p1 [sflag:s0], $0x2800  }
0x58: {  	[sflag:s0] =	ssyncset.done @!p1 $0x0  }
0x59: {  	s16 =	simm.s32 @!p1 $0x8590;
	[sflag:s0] =	ssyncadd.s32 @!p1 $0xFFFFD800;
	s0 =	sadd.s32 @!p1 $0x230, s1  }
0x5a: {  	[tilespmem:s16], [sflag:$0x3] =	stream.indirect.gather @!p1 [spmem:s2], $0x80, s0, s13, $0xb8;
	[tilespmem:$0xFD90] =	vst v63  }
0x5b: {  	s0 =	simm.s32 @!p1 $0x4  }
0x5c: {  	_ =	swait.ge @!p1 [sflag:s0], $0x2800  }
0x5d: {  	[sflag:s0] =	ssyncset.done @!p1 $0x0  }
0x5e: {  	s16 =	simm.s32 @!p1 $0xAD90;
	[sflag:s0] =	ssyncadd.s32 @!p1 $0xFFFFD800;
	s0 =	sadd.s32 @!p1 $0xFFFFFB00, s29  }
0x5f: {  	[hbm4b:s0+s14] =	stream.linear.scatter @!p1 [tilespmem:s16], [sflag:$0x9], $0x2800, $0x38;
	[tilespmem:$0xFD90] =	vst v63  }
0x60: {  	s0 =	simm.s32 @!p1 $0x9  }
0x61: {  	_ =	swait.ge @!p1 [sflag:s0], $0x2800  }
0x62: {  	[sflag:s0] =	ssyncset.done @!p1 $0x0  }
0x63: {  	[sflag:s0] =	ssyncadd.s32 @!p1 $0xFFFFD800;
	s0 =	sadd.s32 @!p1 $0x280, s1  }
0x64: {  	[tilespmem:s16], [sflag:$0x4] =	stream.indirect.gather @!p1 [spmem:s2], $0x80, s0, s13, $0xb8;
	[tilespmem:$0xFD90] =	vst v63  }
.Ltmp2:
0x65: {  	_ = 	snop;
	(pc) =	sbr.rel @p1 .LBB2_4-.Ltmp2, $4  }
0x66: {  	_ =	swait.ge [sflag:s21], $0x2800  }
0x67: {  	[sflag:s21] =	ssyncset.done $0x0  }
0x68: {  	[sflag:s21] =	ssyncadd.s32 $0xFFFFD800  }
0x69: {  	[hbm4b:s29+s3] =	stream.linear.scatter [tilespmem:s19], [sflag:$0xA], $0x2800, $0x38;
	[tilespmem:$0xFD90] =	vst v63  }
.Ltmp3:
0x6a: {  	(pc) =	sbr.rel .LBB2_2-.Ltmp3, $4  }
0x6b: {  	_ =	swait.ge [sflag:s26], $0x2800  }
0x6c: {  	s0 =	sshra.s32 s30, $0x2;
	s30 =	sadd.s32 $0x640, s30;
	[sflag:s26] =	ssyncset.done $0x0  }
0x6d: {  	s29 =	sadd.s32 $0x1900, s29;
	s0 =	sadd.s32 $0x2D0, s0;
	[sflag:s26] =	ssyncadd.s32 $0xFFFFD800  }
0x6e: {  	[tilespmem:s19], [sflag:$0x5] =	stream.indirect.gather [spmem:s2], $0x80, s0, s11, $0xb8;
	[tilespmem:$0xFD90] =	vst v63  }
.LBB2_5:
0x6f: {  	_ =	sfence.sel $0x180000  }
0x70: {  	[bflag:$0x0] =	sbarrier.arrive $0xFFFF  }
0x71: {  	_ =	strace $0x90000047  }
0x72: {  	[bflag:$0x2] =	sbarrier.arrive $0xFFFF  }
0x73: {  	s0 =	rddreg [dreg:$0x4]  }
0x74: {  	s0 =	sadd.s32 @!p0 $0x100000, s0  }
0x75: {  	[sflag:s0] =	ssyncadd.tile.s32 @!p0 $0x1;
	_ =	shalt  }
.Lfunc_end2:
_tile_overlayer_lowered:
.L_overlay_start_2:
0x76: {  	(tag) =	ssettag $0x2  }
0x77: {  	s0 =	rddreg [dreg:$0x0];
	s2 =	stileid.u32  }
0x78: {  	s1 =	rddreg [dreg:$0x1];
	p0 =	sne.s32 s2, $0x0  }
0x79: {  	s3 =	rddreg [dreg:$0x2];
	[bflag:$0x3] =	sbarrier.arrive $0xFFFF;
	s2 =	simm.s32 @!p0 $0x1C0B  }
0x7a: {  	[timem:s3], [sflag:s2] =	dma.local @!p0 [hbm:s0], s1  }
0x7b: {  	s0 =	simm.s32 @!p0 $0xB  }
0x7c: {  	_ =	swait.ge @!p0 [sflag:s0], s1  }
0x7d: {  	s1 =	ssub.s32 @!p0 $0x0, s1;
	[sflag:s0] =	ssyncset.done @!p0 $0x0  }
0x7e: {  	[sflag:s0] =	ssyncadd.s32 @!p0 s1  }
0x7f: {  	[bflag:$0x3] =	sbarrier.arrive $0xFFFF  }
0x80: {  	_ =	shalt  }

</sc_bundles>
